<compile_context>
chip_gen: v7x
topology: tpu7x:2x2x1
jax: 0.10.2.dev20260603
libtpu: 0.0.44.dev20260713+nightly
codegen_flags: <defaults>
</compile_context>

<pallas_src>
import jax
import jax.numpy as jnp
from jax import lax
from jax.experimental import pallas as pl
from jax.experimental.pallas import tpu as pltpu
from jax.experimental.pallas import tpu_sc as plsc

N = 262144
SEGS = 8192
CELLS = 49
NB = N // 128
GB = 32
GRID = NB // GB
EMB = 32

NC, NS, L = 2, 16, 16
NW = NC * NS
CH = N // NW
SL = SEGS // NS


def _dense_body(gx_ref, lg_ref, tv_ref, bgx_ref, blg_ref, btv_ref, bp_ref,
                bias_ref, out_ref):
    gx = gx_ref[...]
    s2 = jnp.sum(gx, axis=0)
    tvb = tv_ref[...]
    tve = jnp.concatenate([tvb, jnp.abs(tvb)], axis=0)
    lg = lg_ref[...]
    f32 = jnp.float32
    pre = jnp.dot(bgx_ref[...], s2, preferred_element_type=f32)
    pre = pre + jnp.dot(blg_ref[...], lg, preferred_element_type=f32)
    pre = pre + jnp.dot(btv_ref[...], tve, preferred_element_type=f32)
    act = jnp.maximum(pre, 0.0)
    h = jnp.dot(bp_ref[...], act, preferred_element_type=f32)
    out_ref[...] = h + bias_ref[...]


def _dense_pass(gx3, lg5, tvj, b_gx, b_lg, b_tv, b_p, bias11):
    return pl.pallas_call(
        _dense_body,
        grid=(GRID,),
        in_specs=[
            pl.BlockSpec((CELLS, 2 * GB, 128), lambda i: (0, i, 0)),
            pl.BlockSpec((5 * GB, 128), lambda i: (i, 0)),
            pl.BlockSpec((2 * GB, 128), lambda i: (i, 0)),
            pl.BlockSpec((GB * EMB, 2 * GB), lambda i: (0, 0)),
            pl.BlockSpec((GB * EMB, 5 * GB), lambda i: (0, 0)),
            pl.BlockSpec((GB * EMB, 4 * GB), lambda i: (0, 0)),
            pl.BlockSpec((GB, GB * EMB), lambda i: (0, 0)),
            pl.BlockSpec((1, 1), lambda i: (0, 0)),
        ],
        out_specs=pl.BlockSpec((GB, 128), lambda i: (i, 0)),
        out_shape=jax.ShapeDtypeStruct((NB, 128), jnp.float32),
    )(gx3, lg5, tvj, b_gx, b_lg, b_tv, b_p, bias11)


def _b1_body(h_hbm, ids_hbm, ones_hbm, sums_hbm, cnts_hbm,
             hv, iv, ones_v, zer_v, seg_sp, cnt_sp, sem_in, sem_sc):
    cid = lax.axis_index("c")
    sid = lax.axis_index("s")
    wid = cid * NS + sid

    ld_h = pltpu.async_copy(h_hbm.at[pl.ds(wid * CH, CH)], hv, sem_in)
    ld_i = pltpu.async_copy(ids_hbm.at[pl.ds(wid * CH, CH)], iv, sem_in)
    ld_o = pltpu.async_copy(ones_hbm.at[pl.ds(wid * CH, CH)], ones_v, sem_in)

    def fill_zero(i, _):
        zer_v[pl.ds(i * L, L)] = jnp.zeros((L,), jnp.float32)
        return 0

    lax.fori_loop(0, SL // L, fill_zero, 0)

    pltpu.sync_copy(zer_v, seg_sp.at[pl.ds(sid * SL, SL)])
    pltpu.sync_copy(zer_v, cnt_sp.at[pl.ds(sid * SL, SL)])
    ld_h.wait()
    ld_i.wait()
    ld_o.wait()
    plsc.subcore_barrier()

    sc_h = pltpu.async_copy(hv, seg_sp.at[iv], sem_sc, add=True)
    sc_o = pltpu.async_copy(ones_v, cnt_sp.at[iv], sem_sc, add=True)
    sc_h.wait()
    sc_o.wait()
    plsc.subcore_barrier()

    @pl.when(sid == 0)
    def _():
        pltpu.sync_copy(seg_sp, sums_hbm.at[pl.ds(cid * SEGS, SEGS)])
        pltpu.sync_copy(cnt_sp, cnts_hbm.at[pl.ds(cid * SEGS, SEGS)])


def _b2_body(sums_hbm, cnts_hbm, ids_hbm, out_hbm,
             s0, s1, c0, c1, mean_sl, mean_full, iv, ov, mean_sp):
    cid = lax.axis_index("c")
    sid = lax.axis_index("s")
    wid = cid * NS + sid
    base = sid * SL

    pltpu.sync_copy(sums_hbm.at[pl.ds(base, SL)], s0)
    pltpu.sync_copy(sums_hbm.at[pl.ds(SEGS + base, SL)], s1)
    pltpu.sync_copy(cnts_hbm.at[pl.ds(base, SL)], c0)
    pltpu.sync_copy(cnts_hbm.at[pl.ds(SEGS + base, SL)], c1)

    def combine(j, _):
        sl = pl.ds(j * L, L)
        tot = s0[sl] + s1[sl]
        cnt = jnp.maximum(c0[sl] + c1[sl], 1.0)
        r = 1.0 / cnt
        r = r * (2.0 - cnt * r)
        r = r * (2.0 - cnt * r)
        mean_sl[sl] = tot * r
        return 0

    lax.fori_loop(0, SL // L, combine, 0)

    pltpu.sync_copy(mean_sl, mean_sp.at[pl.ds(base, SL)])
    plsc.subcore_barrier()
    pltpu.sync_copy(mean_sp, mean_full)

    pltpu.sync_copy(ids_hbm.at[pl.ds(wid * CH, CH)], iv)

    def gather(i, _):
        sl = pl.ds(i * L, L)
        ov[sl] = plsc.load_gather(mean_full, [iv[sl]])
        return 0

    lax.fori_loop(0, CH // L, gather, 0)

    pltpu.sync_copy(ov, out_hbm.at[pl.ds(wid * CH, CH)])


def _segment_mean_gather(h_flat, ids):
    mesh = plsc.VectorSubcoreMesh(core_axis_name="c", subcore_axis_name="s",
                                  num_cores=NC, num_subcores=NS)
    params = pltpu.CompilerParams(needs_layout_passes=False)
    ones = jnp.ones((N,), jnp.float32)
    sums, cnts = pl.kernel(
        _b1_body,
        out_type=(jax.ShapeDtypeStruct((NC * SEGS,), jnp.float32),
                  jax.ShapeDtypeStruct((NC * SEGS,), jnp.float32)),
        mesh=mesh,
        scratch_types=[
            pltpu.VMEM((CH,), jnp.float32),
            pltpu.VMEM((CH,), jnp.int32),
            pltpu.VMEM((CH,), jnp.float32),
            pltpu.VMEM((SL,), jnp.float32),
            pltpu.VMEM_SHARED((SEGS,), jnp.float32),
            pltpu.VMEM_SHARED((SEGS,), jnp.float32),
            pltpu.SemaphoreType.DMA,
            pltpu.SemaphoreType.DMA,
        ],
        compiler_params=params,
    )(h_flat, ids, ones)

    out = pl.kernel(
        _b2_body,
        out_type=jax.ShapeDtypeStruct((N,), jnp.float32),
        mesh=mesh,
        scratch_types=[
            pltpu.VMEM((SL,), jnp.float32),
            pltpu.VMEM((SL,), jnp.float32),
            pltpu.VMEM((SL,), jnp.float32),
            pltpu.VMEM((SL,), jnp.float32),
            pltpu.VMEM((SL,), jnp.float32),
            pltpu.VMEM((SEGS,), jnp.float32),
            pltpu.VMEM((CH,), jnp.int32),
            pltpu.VMEM((CH,), jnp.float32),
            pltpu.VMEM_SHARED((SEGS,), jnp.float32),
        ],
        compiler_params=params,
    )(sums, cnts, ids)
    return out


def kernel(logits, pre_gnn_input, gdata_x, gdata_target_vec, gdata_batch,
           Wl, Wt, Wn, Wo, Wp, bp):
    gx3 = gdata_x.reshape(NB, 128, 7, 7, 2).transpose(2, 3, 0, 4, 1) \
                 .reshape(CELLS, 2 * NB, 128)
    lg5 = logits.reshape(NB, 128, 5).transpose(0, 2, 1).reshape(5 * NB, 128)
    tvj = gdata_target_vec.reshape(NB, 128, 2).transpose(0, 2, 1) \
                          .reshape(2 * NB, 128)

    eye = jnp.eye(GB, dtype=jnp.float32)
    inv_cells = jnp.float32(1.0 / 25.0)
    w2 = jnp.stack([Wo[0], Wn[0]], axis=1) * inv_cells
    b_gx = jnp.kron(eye, w2)
    b_lg = jnp.kron(eye, Wl.T)
    b_tv = jnp.concatenate(
        [jnp.kron(eye, Wt[:2].T),
         jnp.kron(eye, jnp.stack([Wt[2], Wt[2]], axis=1))], axis=1)
    b_p = jnp.kron(eye, Wp.T)
    bias11 = bp.reshape(1, 1)

    h2 = _dense_pass(gx3, lg5, tvj, b_gx, b_lg, b_tv, b_p, bias11)
    ids = gdata_batch.astype(jnp.int32)
    out = _segment_mean_gather(h2.reshape(N), ids)
    return out.reshape(N, 1)

# --- scband reference (transcript-rebuilt; emitter-appended) ---
"""Pipeline reference for scband-simple-local-critic-910533067072 (READ-ONLY COPY).

The authoritative reference and input builder live on the scoring server;
editing this copy changes nothing except your own understanding.
"""

import jax, jax.numpy as jnp
import numpy as np

N = 262144
NUM_SEGMENTS = 8192
EMB = 32
NUM_CLASSES = 5


def setup_inputs(seed: int = 0) -> dict:
    key = jax.random.key(seed)
    ks = jax.random.split(key, 10)
    logits = jax.random.normal(ks[0], (N, NUM_CLASSES), dtype=jnp.float32)
    pre_gnn_input = jnp.zeros((1,), dtype=jnp.float32)
    gdata_x = jax.random.uniform(ks[1], (N, 7, 7, 2), dtype=jnp.float32)
    gdata_target_vec = jax.random.normal(ks[2], (N, 2), dtype=jnp.float32)
    gdata_batch = jnp.sort(jax.random.randint(ks[3], (N,), 0, NUM_SEGMENTS, dtype=jnp.int64))
    # learned parameters (torch Linear weight [out,in] stored transposed for x @ W)
    Wl = jax.random.normal(ks[4], (NUM_CLASSES, EMB), dtype=jnp.float32) / np.sqrt(NUM_CLASSES)
    Wt = jax.random.normal(ks[5], (3, EMB), dtype=jnp.float32) / np.sqrt(3.0)
    Wn = jax.random.normal(ks[6], (1, EMB), dtype=jnp.float32)
    Wo = jax.random.normal(ks[7], (1, EMB), dtype=jnp.float32)
    Wp = jax.random.normal(ks[8], (EMB, 1), dtype=jnp.float32) / np.sqrt(EMB)
    bp = jnp.zeros((1,), dtype=jnp.float32)
    return {"logits": logits, "pre_gnn_input": pre_gnn_input, "gdata_x": gdata_x,
            "gdata_target_vec": gdata_target_vec, "gdata_batch": gdata_batch,
            "Wl": Wl, "Wt": Wt, "Wn": Wn, "Wo": Wo, "Wp": Wp, "bp": bp}


def reference(logits, pre_gnn_input, gdata_x, gdata_target_vec, gdata_batch,
              Wl, Wt, Wn, Wo, Wp, bp):
    H, W = gdata_x.shape[1], gdata_x.shape[2]
    num_cells = (H - 2) * (W - 2)
    num_neighbours = jnp.sum(gdata_x[:, :, :, 1], axis=(1, 2)) / num_cells
    num_obstacles = jnp.sum(gdata_x[:, :, :, 0], axis=(1, 2)) / num_cells
    target_vec = gdata_target_vec[:, :2]
    target_vec_dist = jnp.sum(jnp.abs(target_vec), axis=-1, keepdims=True)
    target_vec = jnp.concatenate([target_vec, target_vec_dist], axis=-1)
    h = logits @ Wl
    h = h + target_vec @ Wt
    h = h + num_neighbours[:, None] @ Wn
    h = h + num_obstacles[:, None] @ Wo
    h = jax.nn.relu(h)
    h = h @ Wp + bp  # [N, 1]
    # scatter(..., reduce='mean') over batch ids, then gather back per node
    seg_sum = jax.ops.segment_sum(h, gdata_batch, num_segments=NUM_SEGMENTS)
    counts = jnp.bincount(gdata_batch, length=NUM_SEGMENTS)
    seg_mean = seg_sum / jnp.maximum(counts, 1)[:, None].astype(h.dtype)
    out = seg_mean[gdata_batch]
    return out

if __name__ == "__main__":
    import jax
    _d = setup_inputs()
    print(jax.jit(kernel)(*tuple(_d.values())))

</pallas_src>

<mosaic_0001>
#map = affine_map<(d0, d1) -> (0)>
module attributes {stable_mosaic.version = 14 : i64} {
  func.func @_b2_body(%arg0: i32, %arg1: i32, %arg2: memref<16384xf32, #tpu.memory_space<hbm>>, %arg3: memref<16384xf32, #tpu.memory_space<hbm>>, %arg4: memref<262144xi32, #tpu.memory_space<hbm>>, %arg5: memref<262144xf32, #tpu.memory_space<hbm>>, %arg6: memref<512xf32, #tpu.memory_space<vmem>>, %arg7: memref<512xf32, #tpu.memory_space<vmem>>, %arg8: memref<512xf32, #tpu.memory_space<vmem>>, %arg9: memref<512xf32, #tpu.memory_space<vmem>>, %arg10: memref<512xf32, #tpu.memory_space<vmem>>, %arg11: memref<8192xf32, #tpu.memory_space<vmem>>, %arg12: memref<8192xi32, #tpu.memory_space<vmem>>, %arg13: memref<8192xf32, #tpu.memory_space<vmem>>, %arg14: memref<8192xf32, #tpu.memory_space<vmem_shared>>) attributes {dimension_semantics = [#tpu.dimension_semantics<core_parallel>, #tpu.dimension_semantics<subcore_parallel>], iteration_bounds = array<i64: 2, 16>, scalar_prefetch = 0 : i64, scratch_operands = 9 : i64, tpu.core_type = #tpu.core_type<sc_vector_subcore>, window_params = [{transform_indices = #map}, {transform_indices = #map}, {transform_indices = #map}, {transform_indices = #map}]} {
    %mul3A = arith.constant 16 : i32
    %mul3A_0 = arith.muli %arg0, %mul3A : i32
    %add3A = arith.addi %mul3A_0, %arg1 : i32
    %mul3A_1 = arith.constant 512 : i32
    %mul3A_2 = arith.muli %arg1, %mul3A_1 : i32
    "tpu.region"() ({
      %run_scoped3A = tpu.sem_alloc : memref<!tpu.dma_semaphore, #tpu.memory_space<semaphore_mem>>
      %dma_start3A = tpu.memref_slice %arg2[%mul3A_2] : memref<16384xf32, #tpu.memory_space<hbm>> -> memref<512xf32, #tpu.memory_space<hbm>>
      %dma_start3A_24 = tpu.memref_slice %arg2[%mul3A_2] : memref<16384xf32, #tpu.memory_space<hbm>> -> memref<512xf32, #tpu.memory_space<hbm>>
      tpu.enqueue_dma source(%dma_start3A_24 : memref<512xf32, #tpu.memory_space<hbm>>) target(%arg6 : memref<512xf32, #tpu.memory_space<vmem>>) target_semaphore(%run_scoped3A : memref<!tpu.dma_semaphore, #tpu.memory_space<semaphore_mem>>)
      %dma_wait3A = tpu.memref_slice %arg2[%mul3A_2] : memref<16384xf32, #tpu.memory_space<hbm>> -> memref<512xf32, #tpu.memory_space<hbm>>
      %dma_wait3A_25 = tpu.memref_slice %arg2[%mul3A_2] : memref<16384xf32, #tpu.memory_space<hbm>> -> memref<512xf32, #tpu.memory_space<hbm>>
      tpu.wait_dma2 semaphore(%run_scoped3A : memref<!tpu.dma_semaphore, #tpu.memory_space<semaphore_mem>>) src(%dma_wait3A_25 : memref<512xf32, #tpu.memory_space<hbm>>) dst(%arg6 : memref<512xf32, #tpu.memory_space<vmem>>)
      tpu.yield
    }) : () -> ()
    %add3A_3 = arith.constant 8192 : i32
    %add3A_4 = arith.addi %add3A_3, %mul3A_2 : i32
    "tpu.region"() ({
      %run_scoped3A = tpu.sem_alloc : memref<!tpu.dma_semaphore, #tpu.memory_space<semaphore_mem>>
      %dma_start3A = tpu.memref_slice %arg2[%add3A_4] : memref<16384xf32, #tpu.memory_space<hbm>> -> memref<512xf32, #tpu.memory_space<hbm>>
      %dma_start3A_24 = tpu.memref_slice %arg2[%add3A_4] : memref<16384xf32, #tpu.memory_space<hbm>> -> memref<512xf32, #tpu.memory_space<hbm>>
      tpu.enqueue_dma source(%dma_start3A_24 : memref<512xf32, #tpu.memory_space<hbm>>) target(%arg7 : memref<512xf32, #tpu.memory_space<vmem>>) target_semaphore(%run_scoped3A : memref<!tpu.dma_semaphore, #tpu.memory_space<semaphore_mem>>)
      %dma_wait3A = tpu.memref_slice %arg2[%add3A_4] : memref<16384xf32, #tpu.memory_space<hbm>> -> memref<512xf32, #tpu.memory_space<hbm>>
      %dma_wait3A_25 = tpu.memref_slice %arg2[%add3A_4] : memref<16384xf32, #tpu.memory_space<hbm>> -> memref<512xf32, #tpu.memory_space<hbm>>
      tpu.wait_dma2 semaphore(%run_scoped3A : memref<!tpu.dma_semaphore, #tpu.memory_space<semaphore_mem>>) src(%dma_wait3A_25 : memref<512xf32, #tpu.memory_space<hbm>>) dst(%arg7 : memref<512xf32, #tpu.memory_space<vmem>>)
      tpu.yield
    }) : () -> ()
    "tpu.region"() ({
      %run_scoped3A = tpu.sem_alloc : memref<!tpu.dma_semaphore, #tpu.memory_space<semaphore_mem>>
      %dma_start3A = tpu.memref_slice %arg3[%mul3A_2] : memref<16384xf32, #tpu.memory_space<hbm>> -> memref<512xf32, #tpu.memory_space<hbm>>
      %dma_start3A_24 = tpu.memref_slice %arg3[%mul3A_2] : memref<16384xf32, #tpu.memory_space<hbm>> -> memref<512xf32, #tpu.memory_space<hbm>>
      tpu.enqueue_dma source(%dma_start3A_24 : memref<512xf32, #tpu.memory_space<hbm>>) target(%arg8 : memref<512xf32, #tpu.memory_space<vmem>>) target_semaphore(%run_scoped3A : memref<!tpu.dma_semaphore, #tpu.memory_space<semaphore_mem>>)
      %dma_wait3A = tpu.memref_slice %arg3[%mul3A_2] : memref<16384xf32, #tpu.memory_space<hbm>> -> memref<512xf32, #tpu.memory_space<hbm>>
      %dma_wait3A_25 = tpu.memref_slice %arg3[%mul3A_2] : memref<16384xf32, #tpu.memory_space<hbm>> -> memref<512xf32, #tpu.memory_space<hbm>>
      tpu.wait_dma2 semaphore(%run_scoped3A : memref<!tpu.dma_semaphore, #tpu.memory_space<semaphore_mem>>) src(%dma_wait3A_25 : memref<512xf32, #tpu.memory_space<hbm>>) dst(%arg8 : memref<512xf32, #tpu.memory_space<vmem>>)
      tpu.yield
    }) : () -> ()
    %add3A_5 = arith.constant 8192 : i32
    %add3A_6 = arith.addi %add3A_5, %mul3A_2 : i32
    "tpu.region"() ({
      %run_scoped3A = tpu.sem_alloc : memref<!tpu.dma_semaphore, #tpu.memory_space<semaphore_mem>>
      %dma_start3A = tpu.memref_slice %arg3[%add3A_6] : memref<16384xf32, #tpu.memory_space<hbm>> -> memref<512xf32, #tpu.memory_space<hbm>>
      %dma_start3A_24 = tpu.memref_slice %arg3[%add3A_6] : memref<16384xf32, #tpu.memory_space<hbm>> -> memref<512xf32, #tpu.memory_space<hbm>>
      tpu.enqueue_dma source(%dma_start3A_24 : memref<512xf32, #tpu.memory_space<hbm>>) target(%arg9 : memref<512xf32, #tpu.memory_space<vmem>>) target_semaphore(%run_scoped3A : memref<!tpu.dma_semaphore, #tpu.memory_space<semaphore_mem>>)
      %dma_wait3A = tpu.memref_slice %arg3[%add3A_6] : memref<16384xf32, #tpu.memory_space<hbm>> -> memref<512xf32, #tpu.memory_space<hbm>>
      %dma_wait3A_25 = tpu.memref_slice %arg3[%add3A_6] : memref<16384xf32, #tpu.memory_space<hbm>> -> memref<512xf32, #tpu.memory_space<hbm>>
      tpu.wait_dma2 semaphore(%run_scoped3A : memref<!tpu.dma_semaphore, #tpu.memory_space<semaphore_mem>>) src(%dma_wait3A_25 : memref<512xf32, #tpu.memory_space<hbm>>) dst(%arg9 : memref<512xf32, #tpu.memory_space<vmem>>)
      tpu.yield
    }) : () -> ()
    %scan3A = arith.constant 0 : i32
    %scan3A_7 = arith.constant 0 : i32
    %scan3A_8 = arith.constant 32 : i32
    %scan3A_9 = arith.addi %scan3A_7, %scan3A_8 : i32
    %scan3A_10 = arith.constant 1 : i32
    %scan3A_11 = scf.for %scan3A_24 = %scan3A_7 to %scan3A_9 step %scan3A_10 iter_args(%scan3A_25 = %scan3A) -> (i32)  : i32 {
      %mul3A_26 = arith.constant 16 : i32
      %mul3A_27 = arith.muli %scan3A_24, %mul3A_26 : i32
      %get3A = arith.index_cast %mul3A_27 : i32 to index
      %get3A_28 = tpu.vector_load %arg6[%get3A] {strides = array<i32>} : memref<512xf32, #tpu.memory_space<vmem>>, vector<16xf32>,
      %get3A_29 = arith.index_cast %mul3A_27 : i32 to index
      %get3A_30 = tpu.vector_load %arg7[%get3A_29] {strides = array<i32>} : memref<512xf32, #tpu.memory_space<vmem>>, vector<16xf32>,
      %add3A_31 = arith.addf %get3A_28, %get3A_30 : vector<16xf32>
      %get3A_32 = arith.index_cast %mul3A_27 : i32 to index
      %get3A_33 = tpu.vector_load %arg8[%get3A_32] {strides = array<i32>} : memref<512xf32, #tpu.memory_space<vmem>>, vector<16xf32>,
      %get3A_34 = arith.index_cast %mul3A_27 : i32 to index
      %get3A_35 = tpu.vector_load %arg9[%get3A_34] {strides = array<i32>} : memref<512xf32, #tpu.memory_space<vmem>>, vector<16xf32>,
      %add3A_36 = arith.addf %get3A_33, %get3A_35 : vector<16xf32>
      %max3A = arith.constant 1.000000e+00 : f32
      %max3A_37 = vector.broadcast %max3A : f32 to vector<16xf32>
      %max3A_38 = arith.maximumf %add3A_36, %max3A_37 : vector<16xf32>
      %div3A = arith.constant 1.000000e+00 : f32
      %div3A_39 = vector.broadcast %div3A : f32 to vector<16xf32>
      %div3A_40 = arith.divf %div3A_39, %max3A_38 : vector<16xf32>
      %mul3A_41 = arith.mulf %max3A_38, %div3A_40 : vector<16xf32>
      %sub3A = arith.constant 2.000000e+00 : f32
      %sub3A_42 = vector.broadcast %sub3A : f32 to vector<16xf32>
      %sub3A_43 = arith.subf %sub3A_42, %mul3A_41 : vector<16xf32>
      %mul3A_44 = arith.mulf %div3A_40, %sub3A_43 : vector<16xf32>
      %mul3A_45 = arith.mulf %max3A_38, %mul3A_44 : vector<16xf32>
      %sub3A_46 = arith.constant 2.000000e+00 : f32
      %sub3A_47 = vector.broadcast %sub3A_46 : f32 to vector<16xf32>
      %sub3A_48 = arith.subf %sub3A_47, %mul3A_45 : vector<16xf32>
      %mul3A_49 = arith.mulf %mul3A_44, %sub3A_48 : vector<16xf32>
      %mul3A_50 = arith.mulf %add3A_31, %mul3A_49 : vector<16xf32>
      %swap3A = arith.index_cast %mul3A_27 : i32 to index
      %swap3A_51 = tpu.vector_load %arg10[%swap3A] {strides = array<i32>} : memref<512xf32, #tpu.memory_space<vmem>>, vector<16xf32>,
      tpu.vector_store %arg10[%swap3A], %mul3A_50 {strides = array<i32>} : memref<512xf32, #tpu.memory_space<vmem>>, vector<16xf32>,
      %scan3A_52 = arith.constant 0 : i32
      scf.yield %scan3A_52 : i32
    }
    %scan3A_12 = arith.constant 32 : i32
    "tpu.region"() ({
      %run_scoped3A = tpu.sem_alloc : memref<!tpu.dma_semaphore, #tpu.memory_space<semaphore_mem>>
      %dma_start3A = tpu.memref_slice %arg14[%mul3A_2] : memref<8192xf32, #tpu.memory_space<vmem_shared>> -> memref<512xf32, #tpu.memory_space<vmem_shared>>
      %dma_start3A_24 = tpu.memref_slice %arg14[%mul3A_2] : memref<8192xf32, #tpu.memory_space<vmem_shared>> -> memref<512xf32, #tpu.memory_space<vmem_shared>>
      tpu.enqueue_dma source(%arg10 : memref<512xf32, #tpu.memory_space<vmem>>) target(%dma_start3A_24 : memref<512xf32, #tpu.memory_space<vmem_shared>>) target_semaphore(%run_scoped3A : memref<!tpu.dma_semaphore, #tpu.memory_space<semaphore_mem>>)
      %dma_wait3A = tpu.memref_slice %arg14[%mul3A_2] : memref<8192xf32, #tpu.memory_space<vmem_shared>> -> memref<512xf32, #tpu.memory_space<vmem_shared>>
      %dma_wait3A_25 = tpu.memref_slice %arg14[%mul3A_2] : memref<8192xf32, #tpu.memory_space<vmem_shared>> -> memref<512xf32, #tpu.memory_space<vmem_shared>>
      tpu.wait_dma2 semaphore(%run_scoped3A : memref<!tpu.dma_semaphore, #tpu.memory_space<semaphore_mem>>) src(%arg10 : memref<512xf32, #tpu.memory_space<vmem>>) dst(%dma_wait3A_25 : memref<512xf32, #tpu.memory_space<vmem_shared>>)
      tpu.yield
    }) : () -> ()
    %barrier3A = arith.constant 0 : index
    tpu.barrier barrier_id(%barrier3A)
    "tpu.region"() ({
      %run_scoped3A = tpu.sem_alloc : memref<!tpu.dma_semaphore, #tpu.memory_space<semaphore_mem>>
      tpu.enqueue_dma source(%arg14 : memref<8192xf32, #tpu.memory_space<vmem_shared>>) target(%arg11 : memref<8192xf32, #tpu.memory_space<vmem>>) target_semaphore(%run_scoped3A : memref<!tpu.dma_semaphore, #tpu.memory_space<semaphore_mem>>)
      tpu.wait_dma2 semaphore(%run_scoped3A : memref<!tpu.dma_semaphore, #tpu.memory_space<semaphore_mem>>) src(%arg14 : memref<8192xf32, #tpu.memory_space<vmem_shared>>) dst(%arg11 : memref<8192xf32, #tpu.memory_space<vmem>>)
      tpu.yield
    }) : () -> ()
    %mul3A_13 = arith.constant 8192 : i32
    %mul3A_14 = arith.muli %add3A, %mul3A_13 : i32
    "tpu.region"() ({
      %run_scoped3A = tpu.sem_alloc : memref<!tpu.dma_semaphore, #tpu.memory_space<semaphore_mem>>
      %dma_start3A = tpu.memref_slice %arg4[%mul3A_14] : memref<262144xi32, #tpu.memory_space<hbm>> -> memref<8192xi32, #tpu.memory_space<hbm>>
      %dma_start3A_24 = tpu.memref_slice %arg4[%mul3A_14] : memref<262144xi32, #tpu.memory_space<hbm>> -> memref<8192xi32, #tpu.memory_space<hbm>>
      tpu.enqueue_dma source(%dma_start3A_24 : memref<8192xi32, #tpu.memory_space<hbm>>) target(%arg12 : memref<8192xi32, #tpu.memory_space<vmem>>) target_semaphore(%run_scoped3A : memref<!tpu.dma_semaphore, #tpu.memory_space<semaphore_mem>>)
      %dma_wait3A = tpu.memref_slice %arg4[%mul3A_14] : memref<262144xi32, #tpu.memory_space<hbm>> -> memref<8192xi32, #tpu.memory_space<hbm>>
      %dma_wait3A_25 = tpu.memref_slice %arg4[%mul3A_14] : memref<262144xi32, #tpu.memory_space<hbm>> -> memref<8192xi32, #tpu.memory_space<hbm>>
      tpu.wait_dma2 semaphore(%run_scoped3A : memref<!tpu.dma_semaphore, #tpu.memory_space<semaphore_mem>>) src(%dma_wait3A_25 : memref<8192xi32, #tpu.memory_space<hbm>>) dst(%arg12 : memref<8192xi32, #tpu.memory_space<vmem>>)
      tpu.yield
    }) : () -> ()
    %scan3A_15 = arith.constant 0 : i32
    %scan3A_16 = arith.constant 0 : i32
    %scan3A_17 = arith.constant 512 : i32
    %scan3A_18 = arith.addi %scan3A_16, %scan3A_17 : i32
    %scan3A_19 = arith.constant 1 : i32
    %scan3A_20 = scf.for %scan3A_24 = %scan3A_16 to %scan3A_18 step %scan3A_19 iter_args(%scan3A_25 = %scan3A_15) -> (i32)  : i32 {
      %mul3A_26 = arith.constant 16 : i32
      %mul3A_27 = arith.muli %scan3A_24, %mul3A_26 : i32
      %get3A = arith.index_cast %mul3A_27 : i32 to index
      %get3A_28 = tpu.vector_load %arg12[%get3A] {strides = array<i32>} : memref<8192xi32, #tpu.memory_space<vmem>>, vector<16xi32>,
      %gather3A = tpu.vector_load_idx %arg11[%get3A_28] : memref<8192xf32, #tpu.memory_space<vmem>>[vector<16xi32>], vector<16xf32>,
      %swap3A = arith.index_cast %mul3A_27 : i32 to index
      %swap3A_29 = tpu.vector_load %arg13[%swap3A] {strides = array<i32>} : memref<8192xf32, #tpu.memory_space<vmem>>, vector<16xf32>,
      tpu.vector_store %arg13[%swap3A], %gather3A {strides = array<i32>} : memref<8192xf32, #tpu.memory_space<vmem>>, vector<16xf32>,
      %scan3A_30 = arith.constant 0 : i32
      scf.yield %scan3A_30 : i32
    }
    %scan3A_21 = arith.constant 512 : i32
    %mul3A_22 = arith.constant 8192 : i32
    %mul3A_23 = arith.muli %add3A, %mul3A_22 : i32
    "tpu.region"() ({
      %run_scoped3A = tpu.sem_alloc : memref<!tpu.dma_semaphore, #tpu.memory_space<semaphore_mem>>
      %dma_start3A = tpu.memref_slice %arg5[%mul3A_23] : memref<262144xf32, #tpu.memory_space<hbm>> -> memref<8192xf32, #tpu.memory_space<hbm>>
      %dma_start3A_24 = tpu.memref_slice %arg5[%mul3A_23] : memref<262144xf32, #tpu.memory_space<hbm>> -> memref<8192xf32, #tpu.memory_space<hbm>>
      tpu.enqueue_dma source(%arg13 : memref<8192xf32, #tpu.memory_space<vmem>>) target(%dma_start3A_24 : memref<8192xf32, #tpu.memory_space<hbm>>) target_semaphore(%run_scoped3A : memref<!tpu.dma_semaphore, #tpu.memory_space<semaphore_mem>>)
      %dma_wait3A = tpu.memref_slice %arg5[%mul3A_23] : memref<262144xf32, #tpu.memory_space<hbm>> -> memref<8192xf32, #tpu.memory_space<hbm>>
      %dma_wait3A_25 = tpu.memref_slice %arg5[%mul3A_23] : memref<262144xf32, #tpu.memory_space<hbm>> -> memref<8192xf32, #tpu.memory_space<hbm>>
      tpu.wait_dma2 semaphore(%run_scoped3A : memref<!tpu.dma_semaphore, #tpu.memory_space<semaphore_mem>>) src(%arg13 : memref<8192xf32, #tpu.memory_space<vmem>>) dst(%dma_wait3A_25 : memref<8192xf32, #tpu.memory_space<hbm>>)
      tpu.yield
    }) : () -> ()
    return
  }
}

#map = affine_map<(d0, d1) -> (0)>
module attributes {stable_mosaic.version = 14 : i64} {
  func.func @_b1_body(%arg0: i32, %arg1: i32, %arg2: memref<262144xf32, #tpu.memory_space<hbm>>, %arg3: memref<262144xi32, #tpu.memory_space<hbm>>, %arg4: memref<262144xf32, #tpu.memory_space<hbm>>, %arg5: memref<16384xf32, #tpu.memory_space<hbm>>, %arg6: memref<16384xf32, #tpu.memory_space<hbm>>, %arg7: memref<8192xf32, #tpu.memory_space<vmem>>, %arg8: memref<8192xi32, #tpu.memory_space<vmem>>, %arg9: memref<8192xf32, #tpu.memory_space<vmem>>, %arg10: memref<512xf32, #tpu.memory_space<vmem>>, %arg11: memref<8192xf32, #tpu.memory_space<vmem_shared>>, %arg12: memref<8192xf32, #tpu.memory_space<vmem_shared>>, %arg13: memref<!tpu.dma_semaphore, #tpu.memory_space<semaphore_mem>>, %arg14: memref<!tpu.dma_semaphore, #tpu.memory_space<semaphore_mem>>) attributes {dimension_semantics = [#tpu.dimension_semantics<core_parallel>, #tpu.dimension_semantics<subcore_parallel>], iteration_bounds = array<i64: 2, 16>, scalar_prefetch = 0 : i64, scratch_operands = 8 : i64, tpu.core_type = #tpu.core_type<sc_vector_subcore>, window_params = [{transform_indices = #map}, {transform_indices = #map}, {transform_indices = #map}, {transform_indices = #map}, {transform_indices = #map}]} {
    %mul3A = arith.constant 16 : i32
    %mul3A_0 = arith.muli %arg0, %mul3A : i32
    %add3A = arith.addi %mul3A_0, %arg1 : i32
    %mul3A_1 = arith.constant 8192 : i32
    %mul3A_2 = arith.muli %add3A, %mul3A_1 : i32
    %dma_start3A = tpu.memref_slice %arg2[%mul3A_2] : memref<262144xf32, #tpu.memory_space<hbm>> -> memref<8192xf32, #tpu.memory_space<hbm>>
    %dma_start3A_3 = tpu.memref_slice %arg2[%mul3A_2] : memref<262144xf32, #tpu.memory_space<hbm>> -> memref<8192xf32, #tpu.memory_space<hbm>>
    tpu.enqueue_dma source(%dma_start3A_3 : memref<8192xf32, #tpu.memory_space<hbm>>) target(%arg7 : memref<8192xf32, #tpu.memory_space<vmem>>) target_semaphore(%arg13 : memref<!tpu.dma_semaphore, #tpu.memory_space<semaphore_mem>>)
    %mul3A_4 = arith.constant 8192 : i32
    %mul3A_5 = arith.muli %add3A, %mul3A_4 : i32
    %dma_start3A_6 = tpu.memref_slice %arg3[%mul3A_5] : memref<262144xi32, #tpu.memory_space<hbm>> -> memref<8192xi32, #tpu.memory_space<hbm>>
    %dma_start3A_7 = tpu.memref_slice %arg3[%mul3A_5] : memref<262144xi32, #tpu.memory_space<hbm>> -> memref<8192xi32, #tpu.memory_space<hbm>>
    tpu.enqueue_dma source(%dma_start3A_7 : memref<8192xi32, #tpu.memory_space<hbm>>) target(%arg8 : memref<8192xi32, #tpu.memory_space<vmem>>) target_semaphore(%arg13 : memref<!tpu.dma_semaphore, #tpu.memory_space<semaphore_mem>>)
    %mul3A_8 = arith.constant 8192 : i32
    %mul3A_9 = arith.muli %add3A, %mul3A_8 : i32
    %dma_start3A_10 = tpu.memref_slice %arg4[%mul3A_9] : memref<262144xf32, #tpu.memory_space<hbm>> -> memref<8192xf32, #tpu.memory_space<hbm>>
    %dma_start3A_11 = tpu.memref_slice %arg4[%mul3A_9] : memref<262144xf32, #tpu.memory_space<hbm>> -> memref<8192xf32, #tpu.memory_space<hbm>>
    tpu.enqueue_dma source(%dma_start3A_11 : memref<8192xf32, #tpu.memory_space<hbm>>) target(%arg9 : memref<8192xf32, #tpu.memory_space<vmem>>) target_semaphore(%arg13 : memref<!tpu.dma_semaphore, #tpu.memory_space<semaphore_mem>>)
    %scan3A = arith.constant 0 : i32
    %scan3A_12 = arith.constant 0 : i32
    %scan3A_13 = arith.constant 32 : i32
    %scan3A_14 = arith.addi %scan3A_12, %scan3A_13 : i32
    %scan3A_15 = arith.constant 1 : i32
    %scan3A_16 = scf.for %scan3A_38 = %scan3A_12 to %scan3A_14 step %scan3A_15 iter_args(%scan3A_39 = %scan3A) -> (i32)  : i32 {
      %broadcast_in_dim3A = arith.constant 0.000000e+00 : f32
      %broadcast_in_dim3A_40 = vector.broadcast %broadcast_in_dim3A : f32 to vector<16xf32>
      %mul3A_41 = arith.constant 16 : i32
      %mul3A_42 = arith.muli %scan3A_38, %mul3A_41 : i32
      %swap3A = arith.index_cast %mul3A_42 : i32 to index
      %swap3A_43 = tpu.vector_load %arg10[%swap3A] {strides = array<i32>} : memref<512xf32, #tpu.memory_space<vmem>>, vector<16xf32>,
      tpu.vector_store %arg10[%swap3A], %broadcast_in_dim3A_40 {strides = array<i32>} : memref<512xf32, #tpu.memory_space<vmem>>, vector<16xf32>,
      %scan3A_44 = arith.constant 0 : i32
      scf.yield %scan3A_44 : i32
    }
    %scan3A_17 = arith.constant 32 : i32
    %mul3A_18 = arith.constant 512 : i32
    %mul3A_19 = arith.muli %arg1, %mul3A_18 : i32
    "tpu.region"() ({
      %run_scoped3A = tpu.sem_alloc : memref<!tpu.dma_semaphore, #tpu.memory_space<semaphore_mem>>
      %dma_start3A_38 = tpu.memref_slice %arg11[%mul3A_19] : memref<8192xf32, #tpu.memory_space<vmem_shared>> -> memref<512xf32, #tpu.memory_space<vmem_shared>>
      %dma_start3A_39 = tpu.memref_slice %arg11[%mul3A_19] : memref<8192xf32, #tpu.memory_space<vmem_shared>> -> memref<512xf32, #tpu.memory_space<vmem_shared>>
      tpu.enqueue_dma source(%arg10 : memref<512xf32, #tpu.memory_space<vmem>>) target(%dma_start3A_39 : memref<512xf32, #tpu.memory_space<vmem_shared>>) target_semaphore(%run_scoped3A : memref<!tpu.dma_semaphore, #tpu.memory_space<semaphore_mem>>)
      %dma_wait3A_40 = tpu.memref_slice %arg11[%mul3A_19] : memref<8192xf32, #tpu.memory_space<vmem_shared>> -> memref<512xf32, #tpu.memory_space<vmem_shared>>
      %dma_wait3A_41 = tpu.memref_slice %arg11[%mul3A_19] : memref<8192xf32, #tpu.memory_space<vmem_shared>> -> memref<512xf32, #tpu.memory_space<vmem_shared>>
      tpu.wait_dma2 semaphore(%run_scoped3A : memref<!tpu.dma_semaphore, #tpu.memory_space<semaphore_mem>>) src(%arg10 : memref<512xf32, #tpu.memory_space<vmem>>) dst(%dma_wait3A_41 : memref<512xf32, #tpu.memory_space<vmem_shared>>)
      tpu.yield
    }) : () -> ()
    %mul3A_20 = arith.constant 512 : i32
    %mul3A_21 = arith.muli %arg1, %mul3A_20 : i32
    "tpu.region"() ({
      %run_scoped3A = tpu.sem_alloc : memref<!tpu.dma_semaphore, #tpu.memory_space<semaphore_mem>>
      %dma_start3A_38 = tpu.memref_slice %arg12[%mul3A_21] : memref<8192xf32, #tpu.memory_space<vmem_shared>> -> memref<512xf32, #tpu.memory_space<vmem_shared>>
      %dma_start3A_39 = tpu.memref_slice %arg12[%mul3A_21] : memref<8192xf32, #tpu.memory_space<vmem_shared>> -> memref<512xf32, #tpu.memory_space<vmem_shared>>
      tpu.enqueue_dma source(%arg10 : memref<512xf32, #tpu.memory_space<vmem>>) target(%dma_start3A_39 : memref<512xf32, #tpu.memory_space<vmem_shared>>) target_semaphore(%run_scoped3A : memref<!tpu.dma_semaphore, #tpu.memory_space<semaphore_mem>>)
      %dma_wait3A_40 = tpu.memref_slice %arg12[%mul3A_21] : memref<8192xf32, #tpu.memory_space<vmem_shared>> -> memref<512xf32, #tpu.memory_space<vmem_shared>>
      %dma_wait3A_41 = tpu.memref_slice %arg12[%mul3A_21] : memref<8192xf32, #tpu.memory_space<vmem_shared>> -> memref<512xf32, #tpu.memory_space<vmem_shared>>
      tpu.wait_dma2 semaphore(%run_scoped3A : memref<!tpu.dma_semaphore, #tpu.memory_space<semaphore_mem>>) src(%arg10 : memref<512xf32, #tpu.memory_space<vmem>>) dst(%dma_wait3A_41 : memref<512xf32, #tpu.memory_space<vmem_shared>>)
      tpu.yield
    }) : () -> ()
    %dma_wait3A = tpu.memref_slice %arg2[%mul3A_2] : memref<262144xf32, #tpu.memory_space<hbm>> -> memref<8192xf32, #tpu.memory_space<hbm>>
    %dma_wait3A_22 = tpu.memref_slice %arg2[%mul3A_2] : memref<262144xf32, #tpu.memory_space<hbm>> -> memref<8192xf32, #tpu.memory_space<hbm>>
    tpu.wait_dma2 semaphore(%arg13 : memref<!tpu.dma_semaphore, #tpu.memory_space<semaphore_mem>>) src(%dma_wait3A_22 : memref<8192xf32, #tpu.memory_space<hbm>>) dst(%arg7 : memref<8192xf32, #tpu.memory_space<vmem>>)
    %dma_wait3A_23 = tpu.memref_slice %arg3[%mul3A_5] : memref<262144xi32, #tpu.memory_space<hbm>> -> memref<8192xi32, #tpu.memory_space<hbm>>
    %dma_wait3A_24 = tpu.memref_slice %arg3[%mul3A_5] : memref<262144xi32, #tpu.memory_space<hbm>> -> memref<8192xi32, #tpu.memory_space<hbm>>
    tpu.wait_dma2 semaphore(%arg13 : memref<!tpu.dma_semaphore, #tpu.memory_space<semaphore_mem>>) src(%dma_wait3A_24 : memref<8192xi32, #tpu.memory_space<hbm>>) dst(%arg8 : memref<8192xi32, #tpu.memory_space<vmem>>)
    %dma_wait3A_25 = tpu.memref_slice %arg4[%mul3A_9] : memref<262144xf32, #tpu.memory_space<hbm>> -> memref<8192xf32, #tpu.memory_space<hbm>>
    %dma_wait3A_26 = tpu.memref_slice %arg4[%mul3A_9] : memref<262144xf32, #tpu.memory_space<hbm>> -> memref<8192xf32, #tpu.memory_space<hbm>>
    tpu.wait_dma2 semaphore(%arg13 : memref<!tpu.dma_semaphore, #tpu.memory_space<semaphore_mem>>) src(%dma_wait3A_26 : memref<8192xf32, #tpu.memory_space<hbm>>) dst(%arg9 : memref<8192xf32, #tpu.memory_space<vmem>>)
    %barrier3A = arith.constant 0 : index
    tpu.barrier barrier_id(%barrier3A)
    %dma_start3A_27 = arith.constant 0 : i32
    %dma_start3A_28 = tpu.memref_slice %arg11[%dma_start3A_27] : memref<8192xf32, #tpu.memory_space<vmem_shared>> -> memref<8192xf32, #tpu.memory_space<vmem_shared>>
    tpu.enqueue_indirect_dma source(%arg7 : memref<8192xf32, #tpu.memory_space<vmem>>) target(%dma_start3A_28 : memref<8192xf32, #tpu.memory_space<vmem_shared>>) offsets(%arg8 : memref<8192xi32, #tpu.memory_space<vmem>>) semaphore(%arg14 : memref<!tpu.dma_semaphore, #tpu.memory_space<semaphore_mem>>) {add = true}
    %dma_start3A_29 = arith.constant 0 : i32
    %dma_start3A_30 = tpu.memref_slice %arg12[%dma_start3A_29] : memref<8192xf32, #tpu.memory_space<vmem_shared>> -> memref<8192xf32, #tpu.memory_space<vmem_shared>>
    tpu.enqueue_indirect_dma source(%arg9 : memref<8192xf32, #tpu.memory_space<vmem>>) target(%dma_start3A_30 : memref<8192xf32, #tpu.memory_space<vmem_shared>>) offsets(%arg8 : memref<8192xi32, #tpu.memory_space<vmem>>) semaphore(%arg14 : memref<!tpu.dma_semaphore, #tpu.memory_space<semaphore_mem>>) {add = true}
    %dma_wait3A_31 = arith.constant 0 : i32
    %dma_wait3A_32 = tpu.memref_slice %arg11[%dma_wait3A_31] : memref<8192xf32, #tpu.memory_space<vmem_shared>> -> memref<8192xf32, #tpu.memory_space<vmem_shared>>
    tpu.wait_indirect_dma semaphore(%arg14 : memref<!tpu.dma_semaphore, #tpu.memory_space<semaphore_mem>>) src(%arg7 : memref<8192xf32, #tpu.memory_space<vmem>>) dst(%dma_wait3A_32 : memref<8192xf32, #tpu.memory_space<vmem_shared>>)
    %dma_wait3A_33 = arith.constant 0 : i32
    %dma_wait3A_34 = tpu.memref_slice %arg12[%dma_wait3A_33] : memref<8192xf32, #tpu.memory_space<vmem_shared>> -> memref<8192xf32, #tpu.memory_space<vmem_shared>>
    tpu.wait_indirect_dma semaphore(%arg14 : memref<!tpu.dma_semaphore, #tpu.memory_space<semaphore_mem>>) src(%arg9 : memref<8192xf32, #tpu.memory_space<vmem>>) dst(%dma_wait3A_34 : memref<8192xf32, #tpu.memory_space<vmem_shared>>)
    %barrier3A_35 = arith.constant 0 : index
    tpu.barrier barrier_id(%barrier3A_35)
    %eq3A = arith.constant 0 : i32
    %eq3A_36 = arith.cmpi eq, %arg1, %eq3A : i32
    %convert_element_type3A = arith.extui %eq3A_36 : i1 to i32
    %cond3A = arith.constant 0 : i32
    %cond3A_37 = arith.cmpi ne, %convert_element_type3A, %cond3A : i32
    scf.if %cond3A_37 {
      %mul3A_38 = arith.constant 8192 : i32
      %mul3A_39 = arith.muli %arg0, %mul3A_38 : i32
      "tpu.region"() ({
        %run_scoped3A = tpu.sem_alloc : memref<!tpu.dma_semaphore, #tpu.memory_space<semaphore_mem>>
        %dma_start3A_42 = tpu.memref_slice %arg5[%mul3A_39] : memref<16384xf32, #tpu.memory_space<hbm>> -> memref<8192xf32, #tpu.memory_space<hbm>>
        tpu.enqueue_dma source(%arg11 : memref<8192xf32, #tpu.memory_space<vmem_shared>>) target(%dma_start3A_42 : memref<8192xf32, #tpu.memory_space<hbm>>) target_semaphore(%run_scoped3A : memref<!tpu.dma_semaphore, #tpu.memory_space<semaphore_mem>>)
        %dma_wait3A_43 = tpu.memref_slice %arg5[%mul3A_39] : memref<16384xf32, #tpu.memory_space<hbm>> -> memref<8192xf32, #tpu.memory_space<hbm>>
        tpu.wait_dma2 semaphore(%run_scoped3A : memref<!tpu.dma_semaphore, #tpu.memory_space<semaphore_mem>>) src(%arg11 : memref<8192xf32, #tpu.memory_space<vmem_shared>>) dst(%dma_wait3A_43 : memref<8192xf32, #tpu.memory_space<hbm>>)
        tpu.yield
      }) : () -> ()
      %mul3A_40 = arith.constant 8192 : i32
      %mul3A_41 = arith.muli %arg0, %mul3A_40 : i32
      "tpu.region"() ({
        %run_scoped3A = tpu.sem_alloc : memref<!tpu.dma_semaphore, #tpu.memory_space<semaphore_mem>>
        %dma_start3A_42 = tpu.memref_slice %arg6[%mul3A_41] : memref<16384xf32, #tpu.memory_space<hbm>> -> memref<8192xf32, #tpu.memory_space<hbm>>
        tpu.enqueue_dma source(%arg12 : memref<8192xf32, #tpu.memory_space<vmem_shared>>) target(%dma_start3A_42 : memref<8192xf32, #tpu.memory_space<hbm>>) target_semaphore(%run_scoped3A : memref<!tpu.dma_semaphore, #tpu.memory_space<semaphore_mem>>)
        %dma_wait3A_43 = tpu.memref_slice %arg6[%mul3A_41] : memref<16384xf32, #tpu.memory_space<hbm>> -> memref<8192xf32, #tpu.memory_space<hbm>>
        tpu.wait_dma2 semaphore(%run_scoped3A : memref<!tpu.dma_semaphore, #tpu.memory_space<semaphore_mem>>) src(%arg12 : memref<8192xf32, #tpu.memory_space<vmem_shared>>) dst(%dma_wait3A_43 : memref<8192xf32, #tpu.memory_space<hbm>>)
        tpu.yield
      }) : () -> ()
    } else {
    }
    return
  }
}

module attributes {stable_mosaic.version = 14 : i64} {
  func.func @_dense_body(%arg0: i32, %arg1: memref<49x64x128xf32, #tpu.memory_space<vmem>>, %arg2: memref<160x128xf32, #tpu.memory_space<vmem>>, %arg3: memref<64x128xf32, #tpu.memory_space<vmem>>, %arg4: memref<1024x64xf32, #tpu.memory_space<vmem>>, %arg5: memref<1024x160xf32, #tpu.memory_space<vmem>>, %arg6: memref<1024x128xf32, #tpu.memory_space<vmem>>, %arg7: memref<32x1024xf32, #tpu.memory_space<vmem>>, %arg8: memref<1x1xf32, #tpu.memory_space<vmem>>, %arg9: memref<32x128xf32, #tpu.memory_space<vmem>>) attributes {dimension_semantics = [#tpu.dimension_semantics<arbitrary>], iteration_bounds = array<i64: 64>, scalar_prefetch = 0 : i64, scratch_operands = 0 : i64, tpu.core_type = #tpu.core_type<tc>, window_params = [{transform_indices = @transform_0, window_bounds = array<i64: 49, 64, 128>}, {transform_indices = @transform_1, window_bounds = array<i64: 160, 128>}, {transform_indices = @transform_2, window_bounds = array<i64: 64, 128>}, {pipeline_mode = #tpu.pipeline_mode<synchronous>, transform_indices = @transform_3, window_bounds = array<i64: 1024, 64>}, {pipeline_mode = #tpu.pipeline_mode<synchronous>, transform_indices = @transform_4, window_bounds = array<i64: 1024, 160>}, {pipeline_mode = #tpu.pipeline_mode<synchronous>, transform_indices = @transform_5, window_bounds = array<i64: 1024, 128>}, {pipeline_mode = #tpu.pipeline_mode<synchronous>, transform_indices = @transform_6, window_bounds = array<i64: 32, 1024>}, {pipeline_mode = #tpu.pipeline_mode<synchronous>, transform_indices = @transform_7, window_bounds = array<i64: 1, 1>}, {transform_indices = @transform_8, window_bounds = array<i64: 32, 128>}]} {
    %get3A = arith.constant 0 : index
    %get3A_0 = arith.constant 0 : index
    %get3A_1 = arith.constant 0 : index
    %get3A_2 = vector.load %arg1[%get3A, %get3A_0, %get3A_1] : memref<49x64x128xf32, #tpu.memory_space<vmem>>, vector<49x64x128xf32>
    %reduce_sum3A = arith.constant dense<0.000000e+00> : vector<64x128xf32>
    %reduce_sum3A_3 = vector.multi_reduction <add>, %get3A_2, %reduce_sum3A [0] : vector<49x64x128xf32> to vector<64x128xf32>
    %get3A_4 = arith.constant 0 : index
    %get3A_5 = arith.constant 0 : index
    %get3A_6 = vector.load %arg3[%get3A_4, %get3A_5] : memref<64x128xf32, #tpu.memory_space<vmem>>, vector<64x128xf32>
    %abs3A = math.absf %get3A_6 : vector<64x128xf32>
    %concatenate3A = tpu.concatenate %get3A_6, %abs3A in 0 : vector<64x128xf32>, vector<64x128xf32> -> vector<128x128xf32>
    %get3A_7 = arith.constant 0 : index
    %get3A_8 = arith.constant 0 : index
    %get3A_9 = vector.load %arg2[%get3A_7, %get3A_8] : memref<160x128xf32, #tpu.memory_space<vmem>>, vector<160x128xf32>
    %get3A_10 = arith.constant 0 : index
    %get3A_11 = arith.constant 0 : index
    %get3A_12 = vector.load %arg4[%get3A_10, %get3A_11] : memref<1024x64xf32, #tpu.memory_space<vmem>>, vector<1024x64xf32>
    %dot_general3A = arith.constant dense<0.000000e+00> : vector<1024x128xf32>
    %dot_general3A_13 = tpu.matmul %get3A_12, %reduce_sum3A_3, %dot_general3A {dimension_numbers = #tpu.dot_dimension_numbers<[1], [0], [0], [1], [0, 0, 1, 1], [], []>, transpose_lhs_hint = false} : vector<1024x64xf32>, vector<64x128xf32>, vector<1024x128xf32> -> vector<1024x128xf32>
    %get3A_14 = arith.constant 0 : index
    %get3A_15 = arith.constant 0 : index
    %get3A_16 = vector.load %arg5[%get3A_14, %get3A_15] : memref<1024x160xf32, #tpu.memory_space<vmem>>, vector<1024x160xf32>
    %dot_general3A_17 = arith.constant dense<0.000000e+00> : vector<1024x128xf32>
    %dot_general3A_18 = tpu.matmul %get3A_16, %get3A_9, %dot_general3A_17 {dimension_numbers = #tpu.dot_dimension_numbers<[1], [0], [0], [1], [0, 0, 1, 1], [], []>, transpose_lhs_hint = false} : vector<1024x160xf32>, vector<160x128xf32>, vector<1024x128xf32> -> vector<1024x128xf32>
    %add3A = arith.addf %dot_general3A_13, %dot_general3A_18 : vector<1024x128xf32>
    %get3A_19 = arith.constant 0 : index
    %get3A_20 = arith.constant 0 : index
    %get3A_21 = vector.load %arg6[%get3A_19, %get3A_20] : memref<1024x128xf32, #tpu.memory_space<vmem>>, vector<1024x128xf32>
    %dot_general3A_22 = arith.constant dense<0.000000e+00> : vector<1024x128xf32>
    %dot_general3A_23 = tpu.matmul %get3A_21, %concatenate3A, %dot_general3A_22 {dimension_numbers = #tpu.dot_dimension_numbers<[1], [0], [0], [1], [0, 0, 1, 1], [], []>, transpose_lhs_hint = false} : vector<1024x128xf32>, vector<128x128xf32>, vector<1024x128xf32> -> vector<1024x128xf32>
    %add3A_24 = arith.addf %add3A, %dot_general3A_23 : vector<1024x128xf32>
    %max3A = arith.constant 0.000000e+00 : f32
    %max3A_25 = vector.broadcast %max3A : f32 to vector<1024x128xf32>
    %max3A_26 = arith.maximumf %add3A_24, %max3A_25 : vector<1024x128xf32>
    %get3A_27 = arith.constant 0 : index
    %get3A_28 = arith.constant 0 : index
    %get3A_29 = vector.load %arg7[%get3A_27, %get3A_28] : memref<32x1024xf32, #tpu.memory_space<vmem>>, vector<32x1024xf32>
    %dot_general3A_30 = arith.constant dense<0.000000e+00> : vector<32x128xf32>
    %dot_general3A_31 = tpu.matmul %get3A_29, %max3A_26, %dot_general3A_30 {dimension_numbers = #tpu.dot_dimension_numbers<[1], [0], [0], [1], [0, 0, 1, 1], [], []>, transpose_lhs_hint = false} : vector<32x1024xf32>, vector<1024x128xf32>, vector<32x128xf32> -> vector<32x128xf32>
    %get3A_32 = arith.constant 0 : index
    %get3A_33 = arith.constant 0 : index
    %get3A_34 = vector.load %arg8[%get3A_32, %get3A_33] : memref<1x1xf32, #tpu.memory_space<vmem>>, vector<1x1xf32>
    %add3A_35 = vector.broadcast %get3A_34 : vector<1x1xf32> to vector<32x128xf32>
    %add3A_36 = arith.addf %dot_general3A_31, %add3A_35 : vector<32x128xf32>
    %swap3A = arith.constant 0 : index
    %swap3A_37 = arith.constant 0 : index
    %swap3A_38 = vector.load %arg9[%swap3A, %swap3A_37] : memref<32x128xf32, #tpu.memory_space<vmem>>, vector<32x128xf32>
    tpu.vector_store %arg9[%swap3A, %swap3A_37], %add3A_36 {strides = array<i32>} : memref<32x128xf32, #tpu.memory_space<vmem>>, vector<32x128xf32>,
    return
  }
  func.func @transform_0(%arg0: i32) -> (i32, i32, i32) {
    %c0_i32 = arith.constant 0 : i32
    %c0_i32_0 = arith.constant 0 : i32
    %c0_i32_1 = arith.constant 0 : i32
    return %c0_i32, %arg0, %c0_i32_0 : i32, i32, i32
  }
  func.func @transform_1(%arg0: i32) -> (i32, i32) {
    %c0_i32 = arith.constant 0 : i32
    %c0_i32_0 = arith.constant 0 : i32
    return %arg0, %c0_i32 : i32, i32
  }
  func.func @transform_2(%arg0: i32) -> (i32, i32) {
    %c0_i32 = arith.constant 0 : i32
    %c0_i32_0 = arith.constant 0 : i32
    return %arg0, %c0_i32 : i32, i32
  }
  func.func @transform_3(%arg0: i32) -> (i32, i32) {
    %c0_i32 = arith.constant 0 : i32
    %c0_i32_0 = arith.constant 0 : i32
    %c0_i32_1 = arith.constant 0 : i32
    return %c0_i32, %c0_i32_0 : i32, i32
  }
  func.func @transform_4(%arg0: i32) -> (i32, i32) {
    %c0_i32 = arith.constant 0 : i32
    %c0_i32_0 = arith.constant 0 : i32
    %c0_i32_1 = arith.constant 0 : i32
    return %c0_i32, %c0_i32_0 : i32, i32
  }
  func.func @transform_5(%arg0: i32) -> (i32, i32) {
    %c0_i32 = arith.constant 0 : i32
    %c0_i32_0 = arith.constant 0 : i32
    %c0_i32_1 = arith.constant 0 : i32
    return %c0_i32, %c0_i32_0 : i32, i32
  }
  func.func @transform_6(%arg0: i32) -> (i32, i32) {
    %c0_i32 = arith.constant 0 : i32
    %c0_i32_0 = arith.constant 0 : i32
    %c0_i32_1 = arith.constant 0 : i32
    return %c0_i32, %c0_i32_0 : i32, i32
  }
  func.func @transform_7(%arg0: i32) -> (i32, i32) {
    %c0_i32 = arith.constant 0 : i32
    %c0_i32_0 = arith.constant 0 : i32
    %c0_i32_1 = arith.constant 0 : i32
    return %c0_i32, %c0_i32_0 : i32, i32
  }
  func.func @transform_8(%arg0: i32) -> (i32, i32) {
    %c0_i32 = arith.constant 0 : i32
    %c0_i32_0 = arith.constant 0 : i32
    return %arg0, %c0_i32 : i32, i32
  }
}

</mosaic_0001>

<sc_bundles>
// kernel: kernel.5.cloned.1.call-start
scs
__scs_entry_jumppad:
0x0: {  	(pc) =	sbr.rel $0x88, $3  }
0x1: {  	(tag) =	ssettag $0x0;
	lr =	simm.s32 $0x1  }
0x2: {  	[smem:$0x3F97] =	sst lr;
	_ =	strace $0xD0000000  }
0x3: {  	_ = 	snop  }
0x4: {  	_ = 	snop  }
0x5: {  	_ = 	snop  }
0x6: {  	_ = 	snop  }
0x7: {  	_ = 	snop  }
__scs_overlays_trampoline_lowered:
0x8: {  	[smem:$0x3FA6] =	sst s0  }
0x9: {  	[smem:$0x3FA7] =	sst s1  }
0xa: {  	[smem:$0x3FA8] =	sst s2  }
0xb: {  	[smem:$0x3FA9] =	sst s3  }
0xc: {  	[smem:$0x3FAA] =	sst s4  }
0xd: {  	[smem:$0x3FAB] =	sst s5  }
0xe: {  	[smem:$0x3FAC] =	sst s6  }
0xf: {  	[smem:$0x3FAD] =	sst s7  }
0x10: {  	[smem:$0x3FAE] =	sst s8  }
0x11: {  	[smem:$0x3FAF] =	sst s9;
	s0 =	simm.s32 @!p0 $0x0  }
0x12: {  	s1 =	sld [smem:$0x3F95];
	s0 =	simm.s32 @p0 $0x1  }
0x13: {  	[smem:$0x3FB0] =	sst s0;
	s0 =	simm.s32 @!p1 $0x0  }
0x14: {  	s2 =	sld [smem:$0x3F94];
	s0 =	simm.s32 @p1 $0x1  }
0x15: {  	[smem:$0x3FB1] =	sst s0;
	s0 =	simm.s32 @!p2 $0x0  }
0x16: {  	s3 =	sld [smem:$0x3FDB];
	s0 =	simm.s32 @p2 $0x1  }
0x17: {  	s4 =	simm.s32 $0x1BF5;
	[smem:$0x3FB3] =	sst s0  }
0x18: {  	s0 =	sld [smem:$0x3F96];
	_ =	swait.ge [sflag:s4], $0x0  }
0x19: {  	s7 =	sld [smem:$0x3F97]  }
0x1a: {  	s8 =	sadd.s32 $0xFFFFE003, lr  }
0x1b: {  	s9 =	sadd.s32 $0xFFFFFEF7, lr;
	s5 =	simm.s32 $0xFFFFFFFF;
	p2 =	slt.u32 s8, $0xFFFFF086  }
0x1c: {  	p1 =	slt.u32 s9, $0xF7A;
	s5 =	simm.s32 @!p2 $0x0  }
0x1d: {  	s5 =	simm.s32 @p1 $0x1;
	p0 =	seq.s32 s7, s2  }
0x1e: {  	s7 =	smul.u32 @!p0 $0xF7A, s2;
	p2 =	seq.s32 @!p0 s5, $0x0  }
0x1f: {  	s9 =	smul.u32 $0xF7A, s1;
	s8 =	simm.s32 @!p0 $0x1BF5;
	p2 =	por !p2, p0  }
0x20: {  	[sflag:s8] =	ssyncset.s32 @!p0 $0xFFFFF086;
	s6 =	sadd.s32 @!p0 s3, s7;
	s7 =	simm.s32 @!p0 $0x108  }
0x21: {  	s3 =	sadd.s32 s3, s9;
	s6 =	sadd.s32 @!p0 $0x88, s6;
	s7 =	simm.s32 @p2 $0x1082  }
0x22: {  	[simem:s7], [sflag:s8] =	dma.local @!p0 [hbm:s6], $0xF7A  }
0x23: {  	s9 =	sor.u32 $0xD0000000, s2;
	s6 =	simm.s32 $0x108;
	_ =	swait.ge @!p0 [sflag:s8], $0x0  }
0x24: {  	s3 =	sadd.s32 $0x88, s3;
	s6 =	simm.s32 @!p1 $0x1082;
	[sflag:s4] =	ssyncset.s32 $0xFFFFF086  }
0x25: {  	[simem:s6], [sflag:s4] =	dma.local [hbm:s3], $0xF7A  }
0x26: {  	[smem:$0x3F97] =	sst s1;
	(tag) =	ssettag s2;
	_ =	strace s9  }
0x27: {  	s1 =	sld [smem:$0x3FA7]  }
0x28: {  	s2 =	sld [smem:$0x3FA8]  }
0x29: {  	s4 =	sld [smem:$0x3FAA]  }
0x2a: {  	p0 =	seq.s32 s5, $0x0;
	s5 =	sld [smem:$0x3FAB]  }
0x2b: {  	s6 =	sld [smem:$0x3FAC]  }
0x2c: {  	s7 =	sld [smem:$0x3FAD]  }
0x2d: {  	s3 =	simm.s32 $0x108;
	s8 =	sld [smem:$0x3FAE]  }
0x2e: {  	s3 =	simm.s32 @!p0 $0x1082;
	s9 =	sld [smem:$0x3FAF]  }
0x2f: {  	lr =	sadd.s32 s0, s3;
	s0 =	sld [smem:$0x3FA6]  }
0x30: {  	s3 =	sld [smem:$0x3FA9]  }
0x31: {  	[smem:$0x3FB2] =	sst s10  }
0x32: {  	s10 =	sld [smem:$0x3FB0];
	_ =	sdelay $0x3  }
0x33: {  	p0 =	seq.s32 s10, $0x1;
	s10 =	sld [smem:$0x3FB2];
	_ =	sdelay $0x3  }
0x34: {  	[smem:$0x3FB2] =	sst s10  }
0x35: {  	s10 =	sld [smem:$0x3FB1];
	_ =	sdelay $0x3  }
0x36: {  	p1 =	seq.s32 s10, $0x1;
	s10 =	sld [smem:$0x3FB2];
	_ =	sdelay $0x3  }
0x37: {  	[smem:$0x3FB2] =	sst s10  }
0x38: {  	s10 =	sld [smem:$0x3FB3]  }
0x39: {  	_ = 	snop;
	(pc) =	sbr.ind lr, $3  }
0x3a: {  	_ = 	snop  }
0x3b: {  	_ = 	snop  }
0x3c: {  	p2 =	seq.s32 s10, $0x1;
	s10 =	sld [smem:$0x3FB2]  }
0x3d: {  	_ =	shalt  }
0x3e: {  	_ =	shalt  }
0x3f: {  	_ =	shalt  }
0x40: {  	_ =	shalt  }
0x41: {  	_ =	shalt  }
0x42: {  	_ =	shalt  }
0x43: {  	_ =	shalt  }
0x44: {  	_ =	shalt  }
0x45: {  	_ =	shalt  }
0x46: {  	_ =	shalt  }
0x47: {  	_ =	shalt  }
0x48: {  	_ =	shalt  }
0x49: {  	_ =	shalt  }
0x4a: {  	_ =	shalt  }
0x4b: {  	_ =	shalt  }
0x4c: {  	_ =	shalt  }
0x4d: {  	_ =	shalt  }
0x4e: {  	_ =	shalt  }
0x4f: {  	_ =	shalt  }
0x50: {  	_ =	shalt  }
0x51: {  	_ =	shalt  }
0x52: {  	_ =	shalt  }
0x53: {  	_ =	shalt  }
0x54: {  	_ =	shalt  }
0x55: {  	_ =	shalt  }
0x56: {  	_ =	shalt  }
0x57: {  	_ =	shalt  }
0x58: {  	_ =	shalt  }
0x59: {  	_ =	shalt  }
0x5a: {  	_ =	shalt  }
0x5b: {  	_ =	shalt  }
0x5c: {  	_ =	shalt  }
0x5d: {  	_ =	shalt  }
0x5e: {  	_ =	shalt  }
0x5f: {  	_ =	shalt  }
0x60: {  	_ =	shalt  }
0x61: {  	_ =	shalt  }
0x62: {  	_ =	shalt  }
0x63: {  	_ =	shalt  }
0x64: {  	_ =	shalt  }
0x65: {  	_ =	shalt  }
0x66: {  	_ =	shalt  }
0x67: {  	_ =	shalt  }
0x68: {  	_ =	shalt  }
0x69: {  	_ =	shalt  }
0x6a: {  	_ =	shalt  }
0x6b: {  	_ =	shalt  }
0x6c: {  	_ =	shalt  }
0x6d: {  	_ =	shalt  }
0x6e: {  	_ =	shalt  }
0x6f: {  	_ =	shalt  }
0x70: {  	_ =	shalt  }
0x71: {  	_ =	shalt  }
0x72: {  	_ =	shalt  }
0x73: {  	_ =	shalt  }
0x74: {  	_ =	shalt  }
0x75: {  	_ =	shalt  }
0x76: {  	_ =	shalt  }
0x77: {  	_ =	shalt  }
0x78: {  	_ =	shalt  }
0x79: {  	_ =	shalt  }
0x7a: {  	_ =	shalt  }
0x7b: {  	_ =	shalt  }
0x7c: {  	_ =	shalt  }
0x7d: {  	_ =	shalt  }
0x7e: {  	_ =	shalt  }
0x7f: {  	_ =	shalt  }
0x80: {  	_ =	shalt  }
0x81: {  	_ =	shalt  }
0x82: {  	_ =	shalt  }
0x83: {  	_ =	shalt  }
0x84: {  	_ =	shalt  }
0x85: {  	_ =	shalt  }
0x86: {  	_ =	shalt  }
0x87: {  	_ =	shalt  }
.Lfunc_end0:
.L_simem_size_0:
called_computation_lowered:
.L_overlay_start_0:
0x88: {  	s2 =	sld [smem:$0x3FD9]  }
0x89: {  	s3 =	sld [smem:$0x3FFE];
	_ =	sdelay $0x1  }
0x8a: {  	s1 =	srdreg.scid  }
0x8b: {  	s0 =	sand.u32 $0x1, s1  }
0x8c: {  	s17 =	sshll.u32 s0, $0xA;
	s2 =	sadd.s32 s3, s2  }
0x8d: {  	s2 =	sadd.s32 s2, s17  }
0x8e: {  	[smem:$0x3FBE] =	sst s2  }
0x8f: {  	_ = 	snop  }
0x90: {  	s2 =	sld [smem:$0x3FC6]  }
0x91: {  	s18 =	sld [smem:$0x3FD0];
	(tm) =	ssettm $0x1  }
0x92: {  	s4 =	sld [smem:$0x3FFB];
	_ =	sdelay $0x3  }
0x93: {  	_ =	strace s4  }
0x94: {  	s4 =	sld [smem:$0x3FFC];
	_ =	sdelay $0x3  }
0x95: {  	_ =	strace s4  }
0x96: {  	s4 =	sld [smem:$0x3FFD];
	_ =	sdelay $0x3  }
0x97: {  	_ =	strace s4  }
0x98: {  	_ =	strace $0x8FFFFFFF  }
0x99: {  	s19 =	sld [smem:$0x3FDB];
	_ =	sdelay $0x1  }
0x9a: {  	s5 =	simm.s32 $_scs_section_size  }
0x9b: {  	s6 =	simm.s32 $_size__tile_overlayer_lowered;
	s7 =	simm.s32 $_tile_overlayer_lowered  }
0x9c: {  	s22 =	simm.s32 $0x1BFF;
	s21 =	sshll.u32 s7, $0x1;
	s4 =	sadd.s32 s5, s19  }
0x9d: {  	s8 =	simm.s32 $0x0;
	s20 =	sshll.u32 s6, $0x1;
	s6 =	sadd.s32 s21, s4  }
0x9e: {  	[timem:s8], [sflag:s22] =	dma.local [hbm:s6], s20  }
0x9f: {  	_ =	swait.ge [sflag:s22], s20  }
0xa0: {  	s5 =	ssub.s32 $0x0, s20;
	[sflag:s22] =	ssyncset.done $0x0  }
0xa1: {  	[sflag:s22] =	ssyncadd.s32 s5;
	_ =	sdelay $0x1  }
0xa2: {  	s23 =	simm.s32 $0x1B8B  }
0xa3: {  	_ =	swait.ge [sflag:s23], $0x1  }
0xa4: {  	[sflag:s23] =	ssyncset.done $0x0  }
0xa5: {  	s25 =	simm.s32 $0x1B8E;
	s24 =	sld [smem:$0x3FFE];
	[sflag:s23] =	ssyncadd.s32 $0xFFFFFFFF  }
0xa6: {  	s26 =	simm.s32 $execute0_lowered;
	[smem:$0x3FD2] =	sst s25  }
0xa7: {  	s6 =	sshll.u32 s26, $0x1;
	_ =	strace $0x80000046;
	[dreg:$0x1] =	wrdreg $0xFFFFFFFF  }
0xa8: {  	s28 =	simm.s32 $_size_execute0_lowered;
	s4 =	sadd.s32 s4, s6;
	[dreg:$0x0] =	wrdreg $0x0  }
0xa9: {  	s6 =	sshll.u32 s28, $0x1;
	[dreg:$0x2] =	wrdreg s4  }
0xaa: {  	[dreg:$0x3] =	wrdreg s6  }
0xab: {  	[dreg:$0x4] =	wrdreg $0xC0  }
0xac: {  	_ =	task [dreg:s8], $0x5FFFF  }
0xad: {  	[dreg:$0x1] =	wrdreg $0xFFFFFFFF  }
0xae: {  	[dreg:$0x0] =	wrdreg $0x60  }
0xaf: {  	[dreg:$0x2] =	wrdreg s18  }
0xb0: {  	[dreg:$0x3] =	wrdreg s2  }
0xb1: {  	[dreg:$0x4] =	wrdreg s24  }
0xb2: {  	[dreg:$0x5] =	wrdreg $0x62000  }
0xb3: {  	[dreg:$0x6] =	wrdreg $0x64000  }
0xb4: {  	[dreg:$0x7] =	wrdreg $0x9  }
0xb5: {  	_ =	task.clear_ibuf [dreg:s8], $0x8FFFF;
	_ =	strace $0x90000046  }
0xb6: {  	s29 =	simm.s32 $0x9;
	_ =	strace $0x80000048  }
0xb7: {  	_ =	swait.ge [sflag:s29], $0x1  }
0xb8: {  	[sflag:s29] =	ssyncadd.s32 $0xFFFFFFFF  }
0xb9: {  	_ =	strace $0x90000048  }
0xba: {  	_ =	sfence  }
0xbb: {  	s30 =	sld [smem:$0x0];
	_ =	sdelay $0x2  }
0xbc: {  	s31 =	sshll.u32 s1, $0xD;
	s1 =	sshrl.u32 s1, $0x2  }
0xbd: {  	s3 =	sand.u32 $0x4000, s31;
	s1 =	sadd.s32 s1, s30  }
0xbe: {  	s0 =	sor.u32 s3, s0;
	s1 =	sshll.u32 s1, $0x11  }
0xbf: {  	s0 =	sor.u32 s1, s0  }
0xc0: {  	s0 =	sadd.s32 $0x8F2B, s0  }
0xc1: {  	[sflag:s0] =	ssyncadd.remote.s32 $0x1  }
0xc2: {  	_ =	sfence.sel $0xFFFF  }
0xc3: {  	[dreg:$0x0] =	wrdreg $0xFFFFFFFF;
	(pc) =	sbr.abs _section_cstart, $3  }
0xc4: {  	[dreg:$0x1] =	wrdreg $0xFFFFFFFF  }
0xc5: {  	_ =	task.clear_ibuf [dreg:s8], $0x2FFFF;
	_ =	strace $0x9FFFFFFF  }
0xc6: {  	(tm) =	ssettm $0x7FFFFFFF  }
0xc7: {  	_ =	shalt  }
tec
execute0_lowered:
.L_overlay_start_1:
0x0: {  	(tag) =	ssettag $0x1  }
0x1: {  	s4 =	rddreg [dreg:$0x0]  }
0x2: {  	s5 =	rddreg [dreg:$0x1]  }
0x3: {  	s9 =	rddreg [dreg:$0x2]  }
0x4: {  	s1 =	rddreg [dreg:$0x3];
	s3 =	srdreg.scid  }
0x5: {  	s2 =	rddreg [dreg:$0x4];
	s11 =	stileid.u32;
	s10 =	sand.u32 $0x1, s3  }
0x6: {  	s3 =	simm.s32 $0x0;
	s7 =	sshll.u32 s11, $0xA;
	s6 =	sshll.u32 s10, $0xE  }
0x7: {  	[smem:$0x7FF] =	sst s3;
	s7 =	sor.u32 s7, s6  }
0x8: {  	s0 =	rddreg [dreg:$0x5];
	_ =	strace $0x80000047;
	s6 =	sadd.s32 s4, s7  }
0x9: {  	[tilespmem:s3], [sflag:$0x1] =	stream.linear.gather [hbm4b:s6+s3], $0x2000, $0x38;
	[tilespmem:$0x6600] =	vst v63  }
0xa: {  	s8 =	sadd.s32 s7, s9;
	s7 =	sadd.s32 s5, s7;
	s4 =	simm.s32 $0x2000  }
0xb: {  	[tilespmem:s4], [sflag:$0x1] =	stream.linear.gather [hbm4b:s7+s3], $0x2000, $0x38;
	[tilespmem:$0x6600] =	vst v63  }
0xc: {  	s5 =	simm.s32 $0x4000;
	s8 =	sadd.s32 $0x2000, s8  }
0xd: {  	v0 =	vimm.f32 $0.0e+00;
	[tilespmem:s5], [sflag:$0x1] =	stream.linear.gather [hbm4b:s8+s3], $0x2000, $0x38;
	[tilespmem:$0x6600] =	vst v63  }
0xe: {  	[tilespmem:$0x61F0] =	vst v0  }
0xf: {  	[tilespmem:$0x61E0] =	vst v0  }
0x10: {  	[tilespmem:$0x61D0] =	vst v0  }
0x11: {  	[tilespmem:$0x61C0] =	vst v0  }
0x12: {  	[tilespmem:$0x61B0] =	vst v0  }
0x13: {  	[tilespmem:$0x61A0] =	vst v0  }
0x14: {  	[tilespmem:$0x6190] =	vst v0  }
0x15: {  	[tilespmem:$0x6180] =	vst v0  }
0x16: {  	[tilespmem:$0x6170] =	vst v0  }
0x17: {  	[tilespmem:$0x6160] =	vst v0  }
0x18: {  	[tilespmem:$0x6150] =	vst v0  }
0x19: {  	[tilespmem:$0x6140] =	vst v0  }
0x1a: {  	[tilespmem:$0x6130] =	vst v0  }
0x1b: {  	[tilespmem:$0x6120] =	vst v0  }
0x1c: {  	[tilespmem:$0x6110] =	vst v0  }
0x1d: {  	[tilespmem:$0x6100] =	vst v0  }
0x1e: {  	[tilespmem:$0x60F0] =	vst v0  }
0x1f: {  	[tilespmem:$0x60E0] =	vst v0  }
0x20: {  	[tilespmem:$0x60D0] =	vst v0  }
0x21: {  	[tilespmem:$0x60C0] =	vst v0  }
0x22: {  	[tilespmem:$0x60B0] =	vst v0  }
0x23: {  	[tilespmem:$0x60A0] =	vst v0  }
0x24: {  	[tilespmem:$0x6090] =	vst v0  }
0x25: {  	[tilespmem:$0x6080] =	vst v0  }
0x26: {  	[tilespmem:$0x6070] =	vst v0  }
0x27: {  	s12 =	sshll.u32 s10, $0xA;
	s10 =	ssub.s32 $0x2, s10;
	[tilespmem:$0x6060] =	vst v0  }
0x28: {  	s31 =	sshrl.u32 s10, $0x1;
	[tilespmem:$0x6050] =	vst v0  }
0x29: {  	s9 =	sadd.s32 s12, s9;
	s12 =	ssub.s32 s10, s31;
	[tilespmem:$0x6040] =	vst v0  }
0x2a: {  	s12 =	smax.u32 s12, $0x1;
	[tilespmem:$0x6030] =	vst v0  }
0x2b: {  	s18 =	simm.s32 $0x6000;
	s17 =	simm.s32 $0x3;
	s19 =	sadd.s32 $0xFFFFFFFF, s12;
	[tilespmem:$0x6020] =	vst v0  }
0x2c: {  	s14 =	simm.s32 $0x1;
	s13 =	sshll.u32 s11, $0x9;
	p1 =	sne.s32 s19, $0x0;
	[tilespmem:$0x6000] =	vst v0  }
.Ltmp0:
0x2d: {  	p0 =	sne.s32 s11, $0x0;
	s16 =	sadd.s32 s13, s1;
	[tilespmem:$0x6010] =	vst v0;
	(pc) =	sbr.rel @!p1 .LBB2_2-.Ltmp0, $4  }
0x2e: {  	[spmem:s16] =	stream.linear.scatter [tilespmem:s18], [sflag:$0x3], $0x200, $0x38;
	[tilespmem:$0x6600] =	vst v63  }
0x2f: {  	s15 =	sadd.s32 s13, s2;
	s13 =	simm.s32 $0x2;
	_ =	swait.ge [sflag:s17], $0x200  }
0x30: {  	s11 =	sshrl.u32 @!p0 s2, $0x3;
	s10 =	sadd.s32 $0xA000, s9;
	[sflag:s17] =	ssyncset.done $0x0  }
0x31: {  	s9 =	sadd.s32 $0xA800, s9;
	s12 =	sshrl.u32 @!p0 s1, $0x3;
	[sflag:s17] =	ssyncadd.s32 $0xFFFFFE00  }
.LBB2_1:
0x32: {  	[spmem:s15] =	stream.linear.scatter [tilespmem:s18], [sflag:$0x3], $0x200, $0x38;
	[tilespmem:$0x6600] =	vst v63  }
0x33: {  	s19 =	sadd.s32 $0xFFFFFFFF, s19;
	_ =	swait.ge [sflag:s17], $0x200  }
0x34: {  	p1 =	sne.s32 s19, $0x0;
	[sflag:s17] =	ssyncset.done $0x0  }
0x35: {  	[sflag:s17] =	ssyncadd.s32 $0xFFFFFE00  }
0x36: {  	_ =	swait.ge [sflag:s14], $0x2000  }
0x37: {  	[sflag:s14] =	ssyncset.done $0x0  }
0x38: {  	[sflag:s14] =	ssyncadd.s32 $0xFFFFE000  }
0x39: {  	_ =	swait.ge [sflag:s14], $0x2000  }
0x3a: {  	[sflag:s14] =	ssyncset.done $0x0  }
0x3b: {  	[sflag:s14] =	ssyncadd.s32 $0xFFFFE000  }
0x3c: {  	_ =	swait.ge [sflag:s14], $0x2000  }
0x3d: {  	[sflag:s14] =	ssyncset.done $0x0  }
0x3e: {  	[sflag:s14] =	ssyncadd.s32 $0xFFFFE000  }
0x3f: {  	[bflag:$0x0] =	sbarrier.arrive $0xFFFF  }
0x40: {  	[spmem:s1] =	stream.indirect.scatter.add.f32 [tilespmem:s3], [sflag:$0x2], $0x1, s4, s4, $0xb8;
	[tilespmem:$0x6600] =	vst v63  }
0x41: {  	_ = 	snop  }
0x42: {  	[spmem:s2] =	stream.indirect.scatter.add.f32 [tilespmem:s5], [sflag:$0x2], $0x1, s4, s4, $0xb8;
	[tilespmem:$0x6600] =	vst v63  }
0x43: {  	_ =	swait.ge [sflag:s13], $0x2000  }
0x44: {  	[sflag:s13] =	ssyncset.done $0x0  }
0x45: {  	[sflag:s13] =	ssyncadd.s32 $0xFFFFE000  }
0x46: {  	_ =	swait.ge [sflag:s13], $0x2000  }
0x47: {  	[sflag:s13] =	ssyncset.done $0x0  }
0x48: {  	s20 =	simm.s32 @!p0 $0x1C03;
	[sflag:s13] =	ssyncadd.s32 $0xFFFFE000  }
0x49: {  	s21 =	simm.s32 @!p0 $0x3;
	[bflag:$0x0] =	sbarrier.arrive $0xFFFF  }
0x4a: {  	[hbm:s10], [sflag:s20] =	dma.local @!p0 [spmem:s12], $0x400  }
0x4b: {  	_ =	swait.ge @!p0 [sflag:s21], $0x400  }
0x4c: {  	[sflag:s21] =	ssyncset.done @!p0 $0x0  }
0x4d: {  	[sflag:s21] =	ssyncadd.s32 @!p0 $0xFFFFFC00  }
0x4e: {  	[hbm:s9], [sflag:s20] =	dma.local @!p0 [spmem:s11], $0x400  }
0x4f: {  	_ =	swait.ge @!p0 [sflag:s21], $0x400  }
0x50: {  	[sflag:s21] =	ssyncset.done @!p0 $0x0  }
0x51: {  	[sflag:s21] =	ssyncadd.s32 @!p0 $0xFFFFFC00  }
0x52: {  	[tilespmem:s3], [sflag:$0x1] =	stream.linear.gather [hbm4b:s6+s3], $0x2000, $0x38;
	[tilespmem:$0x6600] =	vst v63  }
0x53: {  	_ = 	snop  }
0x54: {  	[tilespmem:s4], [sflag:$0x1] =	stream.linear.gather [hbm4b:s7+s3], $0x2000, $0x38;
	[tilespmem:$0x6600] =	vst v63  }
0x55: {  	_ = 	snop  }
0x56: {  	[tilespmem:s5], [sflag:$0x1] =	stream.linear.gather [hbm4b:s8+s3], $0x2000, $0x38;
	[tilespmem:$0x6600] =	vst v63  }
0x57: {  	[tilespmem:$0x61F0] =	vst v0  }
0x58: {  	[tilespmem:$0x61E0] =	vst v0  }
0x59: {  	[tilespmem:$0x61D0] =	vst v0  }
0x5a: {  	[tilespmem:$0x61C0] =	vst v0  }
0x5b: {  	[tilespmem:$0x61B0] =	vst v0  }
0x5c: {  	[tilespmem:$0x61A0] =	vst v0  }
0x5d: {  	[tilespmem:$0x6190] =	vst v0  }
0x5e: {  	[tilespmem:$0x6180] =	vst v0  }
0x5f: {  	[tilespmem:$0x6170] =	vst v0  }
0x60: {  	[tilespmem:$0x6160] =	vst v0  }
0x61: {  	[tilespmem:$0x6150] =	vst v0  }
0x62: {  	[tilespmem:$0x6140] =	vst v0  }
0x63: {  	[tilespmem:$0x6130] =	vst v0  }
0x64: {  	[tilespmem:$0x6120] =	vst v0  }
0x65: {  	[tilespmem:$0x6110] =	vst v0  }
0x66: {  	[tilespmem:$0x6100] =	vst v0  }
0x67: {  	[tilespmem:$0x60F0] =	vst v0  }
0x68: {  	[tilespmem:$0x60E0] =	vst v0  }
0x69: {  	[tilespmem:$0x60D0] =	vst v0  }
0x6a: {  	[tilespmem:$0x60C0] =	vst v0  }
0x6b: {  	[tilespmem:$0x60B0] =	vst v0  }
0x6c: {  	[tilespmem:$0x60A0] =	vst v0  }
0x6d: {  	[tilespmem:$0x6090] =	vst v0  }
0x6e: {  	[tilespmem:$0x6080] =	vst v0  }
0x6f: {  	[tilespmem:$0x6070] =	vst v0  }
0x70: {  	[tilespmem:$0x6060] =	vst v0  }
0x71: {  	[tilespmem:$0x6050] =	vst v0  }
0x72: {  	[tilespmem:$0x6040] =	vst v0  }
0x73: {  	[tilespmem:$0x6030] =	vst v0  }
0x74: {  	[tilespmem:$0x6020] =	vst v0  }
0x75: {  	[tilespmem:$0x6000] =	vst v0  }
.Ltmp1:
0x76: {  	[tilespmem:$0x6010] =	vst v0;
	(pc) =	sbr.rel @p1 .LBB2_1-.Ltmp1, $4  }
0x77: {  	[spmem:s16] =	stream.linear.scatter [tilespmem:s18], [sflag:$0x3], $0x200, $0x38;
	[tilespmem:$0x6600] =	vst v63  }
0x78: {  	_ =	swait.ge [sflag:s17], $0x200  }
0x79: {  	[sflag:s17] =	ssyncset.done $0x0  }
0x7a: {  	[sflag:s17] =	ssyncadd.s32 $0xFFFFFE00  }
.LBB2_2:
0x7b: {  	[spmem:s15] =	stream.linear.scatter [tilespmem:s18], [sflag:$0x3], $0x200, $0x38;
	[tilespmem:$0x6600] =	vst v63  }
0x7c: {  	_ =	swait.ge [sflag:s17], $0x200  }
0x7d: {  	[sflag:s17] =	ssyncset.done $0x0  }
0x7e: {  	[sflag:s17] =	ssyncadd.s32 $0xFFFFFE00  }
0x7f: {  	_ =	swait.ge [sflag:s14], $0x2000  }
0x80: {  	[sflag:s14] =	ssyncset.done $0x0  }
0x81: {  	[sflag:s14] =	ssyncadd.s32 $0xFFFFE000  }
0x82: {  	_ =	swait.ge [sflag:s14], $0x2000  }
0x83: {  	[sflag:s14] =	ssyncset.done $0x0  }
0x84: {  	[sflag:s14] =	ssyncadd.s32 $0xFFFFE000  }
0x85: {  	_ =	swait.ge [sflag:s14], $0x2000  }
0x86: {  	[sflag:s14] =	ssyncset.done $0x0  }
0x87: {  	[sflag:s14] =	ssyncadd.s32 $0xFFFFE000  }
0x88: {  	[bflag:$0x0] =	sbarrier.arrive $0xFFFF  }
0x89: {  	[spmem:s1] =	stream.indirect.scatter.add.f32 [tilespmem:s3], [sflag:$0x2], $0x1, s4, s4, $0xb8;
	[tilespmem:$0x6600] =	vst v63  }
0x8a: {  	_ = 	snop  }
0x8b: {  	[spmem:s2] =	stream.indirect.scatter.add.f32 [tilespmem:s5], [sflag:$0x2], $0x1, s4, s4, $0xb8;
	[tilespmem:$0x6600] =	vst v63  }
0x8c: {  	_ =	swait.ge [sflag:s13], $0x2000  }
0x8d: {  	[sflag:s13] =	ssyncset.done $0x0  }
0x8e: {  	[sflag:s13] =	ssyncadd.s32 $0xFFFFE000  }
0x8f: {  	_ =	swait.ge [sflag:s13], $0x2000  }
0x90: {  	[sflag:s13] =	ssyncset.done $0x0  }
0x91: {  	[sflag:s13] =	ssyncadd.s32 $0xFFFFE000  }
0x92: {  	s1 =	simm.s32 @!p0 $0x1C03;
	s2 =	simm.s32 @!p0 $0x3;
	[bflag:$0x0] =	sbarrier.arrive $0xFFFF  }
0x93: {  	[hbm:s10], [sflag:s1] =	dma.local @!p0 [spmem:s12], $0x400  }
0x94: {  	_ =	swait.ge @!p0 [sflag:s2], $0x400  }
0x95: {  	[sflag:s2] =	ssyncset.done @!p0 $0x0  }
0x96: {  	[sflag:s2] =	ssyncadd.s32 @!p0 $0xFFFFFC00  }
0x97: {  	[hbm:s9], [sflag:s1] =	dma.local @!p0 [spmem:s11], $0x400  }
0x98: {  	_ =	swait.ge @!p0 [sflag:s2], $0x400  }
0x99: {  	[sflag:s2] =	ssyncset.done @!p0 $0x0  }
0x9a: {  	[sflag:s2] =	ssyncadd.s32 @!p0 $0xFFFFFC00  }
0x9b: {  	_ =	sfence.sel $0x180000  }
0x9c: {  	[bflag:$0x0] =	sbarrier.arrive $0xFFFF  }
0x9d: {  	_ =	strace $0x90000047  }
0x9e: {  	s0 =	sadd.s32 @!p0 $0x100000, s0;
	[bflag:$0x2] =	sbarrier.arrive $0xFFFF  }
0x9f: {  	[sflag:s0] =	ssyncadd.tile.s32 @!p0 $0x1;
	_ =	shalt  }
.Lfunc_end2:
_tile_overlayer_lowered:
.L_overlay_start_2:
0xa0: {  	(tag) =	ssettag $0x2  }
0xa1: {  	s0 =	rddreg [dreg:$0x0];
	s2 =	stileid.u32  }
0xa2: {  	s1 =	rddreg [dreg:$0x1];
	p0 =	sne.s32 s2, $0x0  }
0xa3: {  	s3 =	rddreg [dreg:$0x2];
	[bflag:$0x3] =	sbarrier.arrive $0xFFFF;
	s2 =	simm.s32 @!p0 $0x1C03  }
0xa4: {  	[timem:s3], [sflag:s2] =	dma.local @!p0 [hbm:s0], s1  }
0xa5: {  	s0 =	simm.s32 @!p0 $0x3  }
0xa6: {  	_ =	swait.ge @!p0 [sflag:s0], s1  }
0xa7: {  	s1 =	ssub.s32 @!p0 $0x0, s1;
	[sflag:s0] =	ssyncset.done @!p0 $0x0  }
0xa8: {  	[sflag:s0] =	ssyncadd.s32 @!p0 s1  }
0xa9: {  	[bflag:$0x3] =	sbarrier.arrive $0xFFFF  }
0xaa: {  	_ =	shalt  }

// kernel: kernel.8.cloned.1.call-start
scs
__scs_entry_jumppad:
0x0: {  	(pc) =	sbr.rel $0x88, $3  }
0x1: {  	(tag) =	ssettag $0x0;
	lr =	simm.s32 $0x1  }
0x2: {  	[smem:$0x3F97] =	sst lr;
	_ =	strace $0xD0000000  }
0x3: {  	_ = 	snop  }
0x4: {  	_ = 	snop  }
0x5: {  	_ = 	snop  }
0x6: {  	_ = 	snop  }
0x7: {  	_ = 	snop  }
__scs_overlays_trampoline_lowered:
0x8: {  	[smem:$0x3FA6] =	sst s0  }
0x9: {  	[smem:$0x3FA7] =	sst s1  }
0xa: {  	[smem:$0x3FA8] =	sst s2  }
0xb: {  	[smem:$0x3FA9] =	sst s3  }
0xc: {  	[smem:$0x3FAA] =	sst s4  }
0xd: {  	[smem:$0x3FAB] =	sst s5  }
0xe: {  	[smem:$0x3FAC] =	sst s6  }
0xf: {  	[smem:$0x3FAD] =	sst s7  }
0x10: {  	[smem:$0x3FAE] =	sst s8  }
0x11: {  	[smem:$0x3FAF] =	sst s9;
	s0 =	simm.s32 @!p0 $0x0  }
0x12: {  	s1 =	sld [smem:$0x3F95];
	s0 =	simm.s32 @p0 $0x1  }
0x13: {  	[smem:$0x3FB0] =	sst s0;
	s0 =	simm.s32 @!p1 $0x0  }
0x14: {  	s2 =	sld [smem:$0x3F94];
	s0 =	simm.s32 @p1 $0x1  }
0x15: {  	[smem:$0x3FB1] =	sst s0;
	s0 =	simm.s32 @!p2 $0x0  }
0x16: {  	s3 =	sld [smem:$0x3FDB];
	s0 =	simm.s32 @p2 $0x1  }
0x17: {  	s4 =	simm.s32 $0x1BF5;
	[smem:$0x3FB3] =	sst s0  }
0x18: {  	s0 =	sld [smem:$0x3F96];
	_ =	swait.ge [sflag:s4], $0x0  }
0x19: {  	s7 =	sld [smem:$0x3F97]  }
0x1a: {  	s8 =	sadd.s32 $0xFFFFE003, lr  }
0x1b: {  	s9 =	sadd.s32 $0xFFFFFEF7, lr;
	s5 =	simm.s32 $0xFFFFFFFF;
	p2 =	slt.u32 s8, $0xFFFFF086  }
0x1c: {  	p1 =	slt.u32 s9, $0xF7A;
	s5 =	simm.s32 @!p2 $0x0  }
0x1d: {  	s5 =	simm.s32 @p1 $0x1;
	p0 =	seq.s32 s7, s2  }
0x1e: {  	s7 =	smul.u32 @!p0 $0xF7A, s2;
	p2 =	seq.s32 @!p0 s5, $0x0  }
0x1f: {  	s9 =	smul.u32 $0xF7A, s1;
	s8 =	simm.s32 @!p0 $0x1BF5;
	p2 =	por !p2, p0  }
0x20: {  	[sflag:s8] =	ssyncset.s32 @!p0 $0xFFFFF086;
	s6 =	sadd.s32 @!p0 s3, s7;
	s7 =	simm.s32 @!p0 $0x108  }
0x21: {  	s3 =	sadd.s32 s3, s9;
	s6 =	sadd.s32 @!p0 $0x88, s6;
	s7 =	simm.s32 @p2 $0x1082  }
0x22: {  	[simem:s7], [sflag:s8] =	dma.local @!p0 [hbm:s6], $0xF7A  }
0x23: {  	s9 =	sor.u32 $0xD0000000, s2;
	s6 =	simm.s32 $0x108;
	_ =	swait.ge @!p0 [sflag:s8], $0x0  }
0x24: {  	s3 =	sadd.s32 $0x88, s3;
	s6 =	simm.s32 @!p1 $0x1082;
	[sflag:s4] =	ssyncset.s32 $0xFFFFF086  }
0x25: {  	[simem:s6], [sflag:s4] =	dma.local [hbm:s3], $0xF7A  }
0x26: {  	[smem:$0x3F97] =	sst s1;
	(tag) =	ssettag s2;
	_ =	strace s9  }
0x27: {  	s1 =	sld [smem:$0x3FA7]  }
0x28: {  	s2 =	sld [smem:$0x3FA8]  }
0x29: {  	s4 =	sld [smem:$0x3FAA]  }
0x2a: {  	p0 =	seq.s32 s5, $0x0;
	s5 =	sld [smem:$0x3FAB]  }
0x2b: {  	s6 =	sld [smem:$0x3FAC]  }
0x2c: {  	s7 =	sld [smem:$0x3FAD]  }
0x2d: {  	s3 =	simm.s32 $0x108;
	s8 =	sld [smem:$0x3FAE]  }
0x2e: {  	s3 =	simm.s32 @!p0 $0x1082;
	s9 =	sld [smem:$0x3FAF]  }
0x2f: {  	lr =	sadd.s32 s0, s3;
	s0 =	sld [smem:$0x3FA6]  }
0x30: {  	s3 =	sld [smem:$0x3FA9]  }
0x31: {  	[smem:$0x3FB2] =	sst s10  }
0x32: {  	s10 =	sld [smem:$0x3FB0];
	_ =	sdelay $0x3  }
0x33: {  	p0 =	seq.s32 s10, $0x1;
	s10 =	sld [smem:$0x3FB2];
	_ =	sdelay $0x3  }
0x34: {  	[smem:$0x3FB2] =	sst s10  }
0x35: {  	s10 =	sld [smem:$0x3FB1];
	_ =	sdelay $0x3  }
0x36: {  	p1 =	seq.s32 s10, $0x1;
	s10 =	sld [smem:$0x3FB2];
	_ =	sdelay $0x3  }
0x37: {  	[smem:$0x3FB2] =	sst s10  }
0x38: {  	s10 =	sld [smem:$0x3FB3]  }
0x39: {  	_ = 	snop;
	(pc) =	sbr.ind lr, $3  }
0x3a: {  	_ = 	snop  }
0x3b: {  	_ = 	snop  }
0x3c: {  	p2 =	seq.s32 s10, $0x1;
	s10 =	sld [smem:$0x3FB2]  }
0x3d: {  	_ =	shalt  }
0x3e: {  	_ =	shalt  }
0x3f: {  	_ =	shalt  }
0x40: {  	_ =	shalt  }
0x41: {  	_ =	shalt  }
0x42: {  	_ =	shalt  }
0x43: {  	_ =	shalt  }
0x44: {  	_ =	shalt  }
0x45: {  	_ =	shalt  }
0x46: {  	_ =	shalt  }
0x47: {  	_ =	shalt  }
0x48: {  	_ =	shalt  }
0x49: {  	_ =	shalt  }
0x4a: {  	_ =	shalt  }
0x4b: {  	_ =	shalt  }
0x4c: {  	_ =	shalt  }
0x4d: {  	_ =	shalt  }
0x4e: {  	_ =	shalt  }
0x4f: {  	_ =	shalt  }
0x50: {  	_ =	shalt  }
0x51: {  	_ =	shalt  }
0x52: {  	_ =	shalt  }
0x53: {  	_ =	shalt  }
0x54: {  	_ =	shalt  }
0x55: {  	_ =	shalt  }
0x56: {  	_ =	shalt  }
0x57: {  	_ =	shalt  }
0x58: {  	_ =	shalt  }
0x59: {  	_ =	shalt  }
0x5a: {  	_ =	shalt  }
0x5b: {  	_ =	shalt  }
0x5c: {  	_ =	shalt  }
0x5d: {  	_ =	shalt  }
0x5e: {  	_ =	shalt  }
0x5f: {  	_ =	shalt  }
0x60: {  	_ =	shalt  }
0x61: {  	_ =	shalt  }
0x62: {  	_ =	shalt  }
0x63: {  	_ =	shalt  }
0x64: {  	_ =	shalt  }
0x65: {  	_ =	shalt  }
0x66: {  	_ =	shalt  }
0x67: {  	_ =	shalt  }
0x68: {  	_ =	shalt  }
0x69: {  	_ =	shalt  }
0x6a: {  	_ =	shalt  }
0x6b: {  	_ =	shalt  }
0x6c: {  	_ =	shalt  }
0x6d: {  	_ =	shalt  }
0x6e: {  	_ =	shalt  }
0x6f: {  	_ =	shalt  }
0x70: {  	_ =	shalt  }
0x71: {  	_ =	shalt  }
0x72: {  	_ =	shalt  }
0x73: {  	_ =	shalt  }
0x74: {  	_ =	shalt  }
0x75: {  	_ =	shalt  }
0x76: {  	_ =	shalt  }
0x77: {  	_ =	shalt  }
0x78: {  	_ =	shalt  }
0x79: {  	_ =	shalt  }
0x7a: {  	_ =	shalt  }
0x7b: {  	_ =	shalt  }
0x7c: {  	_ =	shalt  }
0x7d: {  	_ =	shalt  }
0x7e: {  	_ =	shalt  }
0x7f: {  	_ =	shalt  }
0x80: {  	_ =	shalt  }
0x81: {  	_ =	shalt  }
0x82: {  	_ =	shalt  }
0x83: {  	_ =	shalt  }
0x84: {  	_ =	shalt  }
0x85: {  	_ =	shalt  }
0x86: {  	_ =	shalt  }
0x87: {  	_ =	shalt  }
.Lfunc_end0:
.L_simem_size_0:
called_computation.1_lowered:
.L_overlay_start_0:
0x88: {  	s2 =	sld [smem:$0x3FD9]  }
0x89: {  	s3 =	sld [smem:$0x3FFE];
	_ =	sdelay $0x1  }
0x8a: {  	s1 =	srdreg.scid  }
0x8b: {  	s0 =	sand.u32 $0x1, s1  }
0x8c: {  	s17 =	sshll.u32 s0, $0xA;
	s2 =	sadd.s32 s3, s2  }
0x8d: {  	s2 =	sadd.s32 s2, s17  }
0x8e: {  	[smem:$0x3FBE] =	sst s2  }
0x8f: {  	_ = 	snop  }
0x90: {  	s2 =	sld [smem:$0x3FC6]  }
0x91: {  	s18 =	sld [smem:$0x3FD0];
	(tm) =	ssettm $0x1  }
0x92: {  	s4 =	sld [smem:$0x3FFB];
	_ =	sdelay $0x3  }
0x93: {  	_ =	strace s4  }
0x94: {  	s4 =	sld [smem:$0x3FFC];
	_ =	sdelay $0x3  }
0x95: {  	_ =	strace s4  }
0x96: {  	s4 =	sld [smem:$0x3FFD];
	_ =	sdelay $0x3  }
0x97: {  	_ =	strace s4  }
0x98: {  	_ =	strace $0x8FFFFFFF  }
0x99: {  	s19 =	sld [smem:$0x3FDB];
	_ =	sdelay $0x1  }
0x9a: {  	s5 =	simm.s32 $_scs_section_size  }
0x9b: {  	s6 =	simm.s32 $_size__tile_overlayer_lowered;
	s7 =	simm.s32 $_tile_overlayer_lowered  }
0x9c: {  	s22 =	simm.s32 $0x1BFF;
	s21 =	sshll.u32 s7, $0x1;
	s4 =	sadd.s32 s5, s19  }
0x9d: {  	s8 =	simm.s32 $0x0;
	s20 =	sshll.u32 s6, $0x1;
	s6 =	sadd.s32 s21, s4  }
0x9e: {  	[timem:s8], [sflag:s22] =	dma.local [hbm:s6], s20  }
0x9f: {  	_ =	swait.ge [sflag:s22], s20  }
0xa0: {  	s5 =	ssub.s32 $0x0, s20;
	[sflag:s22] =	ssyncset.done $0x0  }
0xa1: {  	[sflag:s22] =	ssyncadd.s32 s5;
	_ =	sdelay $0x1  }
0xa2: {  	s23 =	simm.s32 $0x1B8B  }
0xa3: {  	_ =	swait.ge [sflag:s23], $0x1  }
0xa4: {  	[sflag:s23] =	ssyncset.done $0x0  }
0xa5: {  	s25 =	simm.s32 $0x1B8E;
	s24 =	sld [smem:$0x3FFE];
	[sflag:s23] =	ssyncadd.s32 $0xFFFFFFFF  }
0xa6: {  	s26 =	simm.s32 $execute0_lowered;
	[smem:$0x3FD2] =	sst s25  }
0xa7: {  	s6 =	sshll.u32 s26, $0x1;
	_ =	strace $0x80000049;
	[dreg:$0x1] =	wrdreg $0xFFFFFFFF  }
0xa8: {  	s28 =	simm.s32 $_size_execute0_lowered;
	s4 =	sadd.s32 s4, s6;
	[dreg:$0x0] =	wrdreg $0x0  }
0xa9: {  	s6 =	sshll.u32 s28, $0x1;
	[dreg:$0x2] =	wrdreg s4  }
0xaa: {  	[dreg:$0x3] =	wrdreg s6  }
0xab: {  	[dreg:$0x4] =	wrdreg $0xC0  }
0xac: {  	_ =	task [dreg:s8], $0x5FFFF  }
0xad: {  	[dreg:$0x1] =	wrdreg $0xFFFFFFFF  }
0xae: {  	[dreg:$0x0] =	wrdreg $0x60  }
0xaf: {  	[dreg:$0x2] =	wrdreg s24  }
0xb0: {  	[dreg:$0x3] =	wrdreg s2  }
0xb1: {  	[dreg:$0x4] =	wrdreg s18  }
0xb2: {  	[dreg:$0x5] =	wrdreg $0x6A000  }
0xb3: {  	[dreg:$0x6] =	wrdreg $0x9  }
0xb4: {  	_ =	task.clear_ibuf [dreg:s8], $0x7FFFF;
	_ =	strace $0x90000049  }
0xb5: {  	s29 =	simm.s32 $0x9;
	_ =	strace $0x8000004B  }
0xb6: {  	_ =	swait.ge [sflag:s29], $0x1  }
0xb7: {  	[sflag:s29] =	ssyncadd.s32 $0xFFFFFFFF  }
0xb8: {  	_ =	strace $0x9000004B  }
0xb9: {  	_ =	sfence  }
0xba: {  	s30 =	sld [smem:$0x0];
	_ =	sdelay $0x2  }
0xbb: {  	s31 =	sshll.u32 s1, $0xD;
	s1 =	sshrl.u32 s1, $0x2  }
0xbc: {  	s3 =	sand.u32 $0x4000, s31;
	s1 =	sadd.s32 s1, s30  }
0xbd: {  	s0 =	sor.u32 s3, s0;
	s1 =	sshll.u32 s1, $0x11  }
0xbe: {  	s0 =	sor.u32 s1, s0  }
0xbf: {  	s0 =	sadd.s32 $0x8F2B, s0  }
0xc0: {  	[sflag:s0] =	ssyncadd.remote.s32 $0x1  }
0xc1: {  	_ =	sfence.sel $0xFFFF  }
0xc2: {  	[dreg:$0x0] =	wrdreg $0xFFFFFFFF;
	(pc) =	sbr.abs _section_cstart, $3  }
0xc3: {  	[dreg:$0x1] =	wrdreg $0xFFFFFFFF  }
0xc4: {  	_ =	task.clear_ibuf [dreg:s8], $0x2FFFF;
	_ =	strace $0x9FFFFFFF  }
0xc5: {  	(tm) =	ssettm $0x7FFFFFFF  }
tec
execute0_lowered:
.L_overlay_start_1:
0x0: {  	(tag) =	ssettag $0x1  }
0x1: {  	s4 =	rddreg [dreg:$0x0]  }
0x2: {  	s9 =	rddreg [dreg:$0x1]  }
0x3: {  	s10 =	rddreg [dreg:$0x2]  }
0x4: {  	s1 =	rddreg [dreg:$0x3]  }
0x5: {  	s0 =	rddreg [dreg:$0x4];
	s2 =	simm.s32 $0x0  }
0x6: {  	s3 =	srdreg.scid;
	s16 =	simm.s32 $0x800;
	s17 =	simm.s32 $0xA00  }
0x7: {  	s18 =	simm.s32 $0x2A00;
	s19 =	simm.s32 $0x4A00;
	s20 =	simm.s32 $0x0  }
0x8: {  	[smem:$0x7FF] =	sst s2;
	s7 =	sand.u32 $0x1, s3;
	s3 =	stileid.u32  }
0x9: {  	s6 =	sadd.s32 $0xA000, s4;
	s12 =	sadd.s32 $0xA800, s4;
	_ =	strace $0x8000004A  }
0xa: {  	s5 =	ssub.s32 $0x2, s7;
	s11 =	sshll.u32 s3, $0x6;
	s30 =	sshll.u32 s3, $0x9  }
0xb: {  	s14 =	sshll.u32 s7, $0xE;
	s15 =	sshll.u32 s3, $0xA;
	s8 =	sshrl.u32 s5, $0x1  }
0xc: {  	s29 =	sor.u32 $0x400, s11;
	s4 =	sadd.s32 s6, s11;
	s31 =	sor.u32 s15, s14  }
0xd: {  	s14 =	simm.s32 $0x400;
	s15 =	simm.s32 $0x600;
	s13 =	ssub.s32 s5, s8  }
0xe: {  	s5 =	sadd.s32 s6, s29;
	s6 =	sadd.s32 s12, s11;
	s7 =	sadd.s32 s12, s29  }
0xf: {  	s8 =	sadd.s32 s30, s1;
	s9 =	sadd.s32 s9, s31;
	s10 =	sadd.s32 s10, s31  }
0x10: {  	s12 =	simm.s32 $0x1;
	s11 =	smax.u32 s13, $0x1;
	s13 =	simm.s32 $0x200  }
.LBB2_1:
0x11: {  	[tilespmem:s2], [sflag:$0x1] =	stream.linear.gather [hbm4b:s4+s2], $0x200, $0x38;
	[tilespmem:$0x6C00] =	vst v63  }
0x12: {  	_ =	swait.ge [sflag:s12], $0x200  }
0x13: {  	[sflag:s12] =	ssyncset.done $0x0  }
0x14: {  	[sflag:s12] =	ssyncadd.s32 $0xFFFFFE00  }
0x15: {  	[tilespmem:s13], [sflag:$0x1] =	stream.linear.gather [hbm4b:s5+s2], $0x200, $0x38;
	[tilespmem:$0x6C00] =	vst v63  }
0x16: {  	_ =	swait.ge [sflag:s12], $0x200  }
0x17: {  	[sflag:s12] =	ssyncset.done $0x0  }
0x18: {  	[sflag:s12] =	ssyncadd.s32 $0xFFFFFE00  }
0x19: {  	[tilespmem:s14], [sflag:$0x1] =	stream.linear.gather [hbm4b:s6+s2], $0x200, $0x38;
	[tilespmem:$0x6C00] =	vst v63  }
0x1a: {  	_ =	swait.ge [sflag:s12], $0x200  }
0x1b: {  	[sflag:s12] =	ssyncset.done $0x0  }
0x1c: {  	[sflag:s12] =	ssyncadd.s32 $0xFFFFFE00  }
0x1d: {  	[tilespmem:s15], [sflag:$0x1] =	stream.linear.gather [hbm4b:s7+s2], $0x200, $0x38;
	[tilespmem:$0x6C00] =	vst v63  }
0x1e: {  	_ =	swait.ge [sflag:s12], $0x200  }
0x1f: {  	[sflag:s12] =	ssyncset.done $0x0  }
0x20: {  	s25 =	simm.s32 $0x0;
	[sflag:s12] =	ssyncadd.s32 $0xFFFFFE00  }
0x21: {  	v0 =	vld [tilespmem:s25+$0x400]  }
0x22: {  	v1 =	vld [tilespmem:s25+$0x600];
	_ =	sdelay $0x4  }
0x23: {  	s22 =	simm.s32 $0x10;
	v0 =	vadd.f32 v1, v0  }
0x24: {  	v2 =	vld [tilespmem:s22+$0x400]  }
0x25: {  	v1 =	vld [tilespmem:s22+$0x600];
	v0 =	vmax.f32 v0, $1.000000000e+00  }
0x26: {  	(erf) = vrcp.f32 v0;
	_ =	sdelay $0x2  }
0x27: {  	s24 =	simm.s32 $0x20  }
0x28: {  	v3 =	vld [tilespmem:s24+$0x600];
	v1 =	vadd.f32 v1, v2  }
0x29: {  	v2 =	vld [tilespmem:s24+$0x400]  }
0x2a: {  	v1 =	vmax.f32 v1, $1.000000000e+00  }
0x2b: {  	s21 =	simm.s32 $0x30;
	(erf) = vrcp.f32 v1  }
0x2c: {  	v4 =	vld [tilespmem:s21+$0x400]  }
0x2d: {  	v7 =	vld [tilespmem:s21+$0x600];
	v5 =	vpop (erf)  }
0x2e: {  	v2 =	vadd.f32 v3, v2;
	v6 =	vmul.f32 v5, v0;
	_ =	sdelay $0x1  }
0x2f: {  	v2 =	vmax.f32 v2, $1.000000000e+00;
	v6 =	vsub.f32 $2.000000000e+00, v6  }
0x30: {  	(erf) = vrcp.f32 v2  }
0x31: {  	s23 =	simm.s32 $0x40;
	v9 =	vld [tilespmem:s25+$0x0];
	v4 =	vadd.f32 v7, v4;
	v6 =	vmul.f32 v6, v5  }
0x32: {  	v8 =	vld [tilespmem:s23+$0x600]  }
0x33: {  	v5 =	vld [tilespmem:s25+$0x200];
	v3 =	vpop (erf);
	v11 =	vmul.f32 v6, v0;
	v0 =	vmax.f32 v4, $1.000000000e+00  }
0x34: {  	v7 =	vld [tilespmem:s23+$0x400];
	v10 =	vmul.f32 v3, v1;
	(erf) = vrcp.f32 v0;
	_ =	sdelay $0x1  }
0x35: {  	s26 =	simm.s32 $0x140;
	v4 =	vld [tilespmem:s22+$0x0];
	v10 =	vsub.f32 $2.000000000e+00, v10;
	v11 =	vsub.f32 $2.000000000e+00, v11  }
.LBB2_2:
0x36: {  	s28 =	smov.u32 s21  }
0x37: {  	v9 =	vadd.f32 v5, v9;
	v5 =	vld [tilespmem:s22+$0x200];
	s21 =	smov.u32 s23;
	s23 =	sshra.s32 s26, $0x2;
	p0 =	sne.s32 s26, $0x7C0  }
.Ltmp0:
0x38: {  	v12 =	vadd.f32 v8, v7;
	v7 =	vld [tilespmem:s23+$0x400];
	v11 =	vmul.f32 v11, v6;
	v6 =	vmul.f32 v10, v3;
	v3 =	vpop (erf);
	(pc) =	sbr.rel @p0 .LBB2_2-.Ltmp0, $4  }
0x39: {  	s26 =	sadd.s32 $0x40, s26;
	v8 =	vld [tilespmem:s23+$0x600];
	v10 =	vmul.f32 v3, v2  }
0x3a: {  	v13 =	vmul.f32 v6, v1;
	v14 =	vmul.f32 v11, v9;
	v1 =	vmovc v2;
	v2 =	vmovc v0;
	v0 =	vmax.f32 v12, $1.000000000e+00  }
0x3b: {  	(erf) = vrcp.f32 v0;
	v9 =	vmov v4  }
0x3c: {  	v10 =	vsub.f32 $2.000000000e+00, v10;
	v4 =	vld [tilespmem:s24+$0x0];
	v11 =	vsub.f32 $2.000000000e+00, v13;
	[tilespmem:s25+$0x800] =	vst v14;
	s25 =	smov.u32 s22;
	s22 =	smov.u32 s24;
	s24 =	smov.u32 s28  }
0x3d: {  	_ = 	snop  }
0x3e: {  	v7 =	vadd.f32 v8, v7;
	_ =	sdelay $0x1  }
0x3f: {  	v51 =	vpop (erf);
	v6 =	vmul.f32 v11, v6;
	v7 =	vmax.f32 v7, $1.000000000e+00  }
0x40: {  	v5 =	vadd.f32 v5, v9;
	v52 =	vmul.f32 v51, v2;
	(erf) = vrcp.f32 v7  }
0x41: {  	v3 =	vmul.f32 v10, v3  }
0x42: {  	v53 =	vld [tilespmem:s22+$0x200];
	v5 =	vmul.f32 v6, v5;
	v54 =	vsub.f32 $2.000000000e+00, v52  }
0x43: {  	v1 =	vmul.f32 v3, v1  }
0x44: {  	v55 =	vld [tilespmem:s24+$0x0];
	[tilespmem:s25+$0x800] =	vst v5;
	v56 =	vmul.f32 v54, v51  }
0x45: {  	v1 =	vsub.f32 $2.000000000e+00, v1;
	v57 =	vld [tilespmem:s24+$0x200]  }
0x46: {  	v2 =	vmul.f32 v56, v2  }
0x47: {  	v4 =	vadd.f32 v53, v4;
	v1 =	vmul.f32 v1, v3  }
0x48: {  	v3 =	vpop (erf);
	v2 =	vsub.f32 $2.000000000e+00, v2  }
0x49: {  	v58 =	vmul.f32 v3, v0;
	v1 =	vmul.f32 v1, v4;
	v59 =	vpop (erf)  }
0x4a: {  	v6 =	vadd.f32 v57, v55;
	v2 =	vmul.f32 v2, v56;
	v61 =	vmul.f32 v59, v7  }
0x4b: {  	v8 =	vsub.f32 $2.000000000e+00, v58  }
0x4c: {  	v60 =	vld [tilespmem:s21+$0x0];
	[tilespmem:s22+$0x800] =	vst v1;
	v2 =	vmul.f32 v2, v6;
	v5 =	vsub.f32 $2.000000000e+00, v61  }
0x4d: {  	v1 =	vld [tilespmem:s21+$0x200];
	v3 =	vmul.f32 v8, v3  }
0x4e: {  	v62 =	vld [tilespmem:s23+$0x0];
	[tilespmem:s24+$0x800] =	vst v2;
	v2 =	vmul.f32 v5, v59  }
0x4f: {  	v0 =	vmul.f32 v3, v0;
	v63 =	vld [tilespmem:s23+$0x200]  }
0x50: {  	v5 =	vmul.f32 v2, v7  }
0x51: {  	v0 =	vsub.f32 $2.000000000e+00, v0  }
0x52: {  	v5 =	vsub.f32 $2.000000000e+00, v5  }
0x53: {  	v1 =	vadd.f32 v1, v60;
	v0 =	vmul.f32 v0, v3  }
0x54: {  	v3 =	vadd.f32 v63, v62;
	v2 =	vmul.f32 v5, v2  }
0x55: {  	v0 =	vmul.f32 v0, v1  }
0x56: {  	v1 =	vmul.f32 v2, v3  }
0x57: {  	[tilespmem:s21+$0x800] =	vst v0  }
0x58: {  	[tilespmem:s23+$0x800] =	vst v1  }
0x59: {  	[spmem:s8] =	stream.linear.scatter [tilespmem:s16], [sflag:$0x1], $0x200, $0x38;
	[tilespmem:$0x6C00] =	vst v63  }
0x5a: {  	_ =	swait.ge [sflag:s12], $0x200  }
0x5b: {  	[sflag:s12] =	ssyncset.done $0x0  }
0x5c: {  	[sflag:s12] =	ssyncadd.s32 $0xFFFFFE00  }
0x5d: {  	[bflag:$0x0] =	sbarrier.arrive $0xFFFF  }
0x5e: {  	[tilespmem:s17], [sflag:$0x1] =	stream.linear.gather [spmem:s1], $0x2000, $0x38;
	[tilespmem:$0x6C00] =	vst v63  }
0x5f: {  	_ =	swait.ge [sflag:s12], $0x2000  }
0x60: {  	[sflag:s12] =	ssyncset.done $0x0  }
0x61: {  	s31 =	simm.s32 $0x0;
	[sflag:s12] =	ssyncadd.s32 $0xFFFFE000  }
0x62: {  	[tilespmem:s18], [sflag:$0x1] =	stream.linear.gather [hbm4b:s9+s31], $0x2000, $0x38;
	[tilespmem:$0x6C00] =	vst v63  }
0x63: {  	_ =	swait.ge [sflag:s12], $0x2000  }
0x64: {  	[sflag:s12] =	ssyncset.done $0x0  }
0x65: {  	s21 =	simm.s32 $0x0;
	[sflag:s12] =	ssyncadd.s32 $0xFFFFE000  }
0x66: {  	v0 =	vld [tilespmem:s21+$0x2A00];
	_ =	sdelay $0x7  }
0x67: {  	s22 =	simm.s32 $0x10;
	s23 =	simm.s32 $0x80;
	v0 =	vld.idx.msk [tilespmem:v0+s17+$0x0], $0xffff  }
.LBB2_4:
0x68: {  	p0 =	sne.s32 s23, $0x7FC0;
	v1 =	vld [tilespmem:s22+$0x2A00];
	_ =	sdelay $0x3  }
.Ltmp1:
0x69: {  	(pc) =	sbr.rel @p0 .LBB2_4-.Ltmp1, $2  }
0x6a: {  	[tilespmem:s21+$0x4A00] =	vst v0;
	s21 =	smov.u32 s22;
	_ =	sdelay $0x2  }
0x6b: {  	s22 =	sshra.s32 s23, $0x2;
	s23 =	sadd.s32 $0x40, s23;
	v0 =	vld.idx.msk [tilespmem:v1+s17+$0x0], $0xffff  }
0x6c: {  	v1 =	vld [tilespmem:s22+$0x2A00];
	_ =	sdelay $0x6  }
0x6d: {  	[tilespmem:s21+$0x4A00] =	vst v0  }
0x6e: {  	v0 =	vld.idx.msk [tilespmem:v1+s17+$0x0], $0xffff;
	_ =	sdelay $0x2  }
0x6f: {  	s20 =	sadd.s32 $0x1, s20  }
0x70: {  	p0 =	sne.s32 s20, s11  }
.Ltmp2:
0x71: {  	[tilespmem:s22+$0x4A00] =	vst v0;
	(pc) =	sbr.rel @p0 .LBB2_1-.Ltmp2, $4  }
0x72: {  	[hbm4b:s10+s2] =	stream.linear.scatter [tilespmem:s19], [sflag:$0x1], $0x2000, $0x38;
	[tilespmem:$0x6C00] =	vst v63  }
0x73: {  	_ =	swait.ge [sflag:s12], $0x2000  }
0x74: {  	[sflag:s12] =	ssyncset.done $0x0  }
0x75: {  	[sflag:s12] =	ssyncadd.s32 $0xFFFFE000  }
0x76: {  	_ =	sfence.sel $0x180000  }
0x77: {  	[bflag:$0x0] =	sbarrier.arrive $0xFFFF  }
0x78: {  	p0 =	sne.s32 s3, $0x0;
	_ =	strace $0x9000004A  }
0x79: {  	s0 =	sadd.s32 @!p0 $0x100000, s0;
	[bflag:$0x2] =	sbarrier.arrive $0xFFFF  }
0x7a: {  	[sflag:s0] =	ssyncadd.tile.s32 @!p0 $0x1;
	_ =	shalt  }
.Lfunc_end2:
_tile_overlayer_lowered:
.L_overlay_start_2:
0x7b: {  	(tag) =	ssettag $0x2  }
0x7c: {  	s0 =	rddreg [dreg:$0x0];
	s2 =	stileid.u32  }
0x7d: {  	s1 =	rddreg [dreg:$0x1];
	p0 =	sne.s32 s2, $0x0  }
0x7e: {  	s3 =	rddreg [dreg:$0x2];
	[bflag:$0x3] =	sbarrier.arrive $0xFFFF;
	s2 =	simm.s32 @!p0 $0x1C01  }
0x7f: {  	[timem:s3], [sflag:s2] =	dma.local @!p0 [hbm:s0], s1  }
0x80: {  	s0 =	simm.s32 @!p0 $0x1  }
0x81: {  	_ =	swait.ge @!p0 [sflag:s0], s1  }
0x82: {  	s1 =	ssub.s32 @!p0 $0x0, s1;
	[sflag:s0] =	ssyncset.done @!p0 $0x0  }
0x83: {  	[sflag:s0] =	ssyncadd.s32 @!p0 s1  }
0x84: {  	[bflag:$0x3] =	sbarrier.arrive $0xFFFF  }
0x85: {  	_ =	shalt  }

</sc_bundles>
